<compile_context>
chip_gen: v7x
topology: tpu7x:2x2x1
jax: 0.10.2.dev20260603
libtpu: 0.0.44.dev20260713+nightly
codegen_flags: <defaults>
</compile_context>

<pallas_src>
import functools

import jax
import jax.numpy as jnp
from jax import lax
from jax.experimental import pallas as pl
from jax.experimental.pallas import tpu as pltpu
from jax.experimental.pallas import tpu_sc as plsc

BATCH = 4
SEQ = 8192
D = 1024

NC = 2
NS = 16
NW = NC * NS
B_PER_W = BATCH * SEQ // NW
W_PER_BATCH = SEQ // B_PER_W
C = 8
NCHUNK = B_PER_W // C
NB = 8


def _sc_gather(weight, input_ids):
  mesh = plsc.VectorSubcoreMesh(core_axis_name="c", subcore_axis_name="s")

  @functools.partial(
      pl.kernel,
      mesh=mesh,
      out_type=jax.ShapeDtypeStruct((BATCH, SEQ, D), jnp.float32),
      scratch_types=[
          pltpu.VMEM((B_PER_W,), jnp.int32),
          pltpu.VMEM((NB, C, D), jnp.float32),
          pltpu.SemaphoreType.DMA((NB,)),
      ],
  )
  def k(table_hbm, idx_hbm, out_hbm, idx_v, rows_v, gsem):
    wid = lax.axis_index("s") * NC + lax.axis_index("c")
    bb = wid // W_PER_BATCH
    col = (wid % W_PER_BATCH) * B_PER_W
    pltpu.sync_copy(idx_hbm.at[bb, pl.ds(col, B_PER_W)], idx_v)

    def start_gather(chunk, b):
      pltpu.async_copy(
          table_hbm.at[idx_v.at[pl.ds(chunk * C, C)]], rows_v.at[b], gsem.at[b]
      )

    def wait_gather(chunk, b):
      pltpu.make_async_copy(
          table_hbm.at[idx_v.at[pl.ds(chunk * C, C)]], rows_v.at[b], gsem.at[b]
      ).wait()

    def put(chunk, b):
      pltpu.sync_copy(
          rows_v.at[b], out_hbm.at[bb, pl.ds(col + chunk * C, C)]
      )

    for b in range(NB):
      start_gather(b, b)

    def body(i, carry):
      for b in range(NB):
        chunk = i * NB + b
        wait_gather(chunk, b)
        put(chunk, b)
        start_gather(chunk + NB, b)
      return carry

    n_main = (NCHUNK - NB) // NB
    lax.fori_loop(0, n_main, body, 0)

    for c in range(n_main * NB, NCHUNK):
      b = c % NB
      wait_gather(c, b)
      put(c, b)
      if c + NB < NCHUNK:
        start_gather(c + NB, b)

  return k(weight, input_ids)


def kernel(input_ids, weight):
  return _sc_gather(weight, input_ids.astype(jnp.int32))

# --- scband reference (transcript-rebuilt; emitter-appended) ---
"""Pipeline reference for scband-embedding-with-weight-tying-17927193493865 (READ-ONLY COPY).

The authoritative reference and input builder live on the scoring server;
editing this copy changes nothing except your own understanding.
"""

import jax, jax.numpy as jnp
import numpy as np

VOCAB_SIZE = 100000
HIDDEN_SIZE = 1024
BATCH = 4
SEQ_LEN = 8192

def setup_inputs(seed: int = 0) -> dict:
    key = jax.random.key(seed)
    k_ids, k_w = jax.random.split(key)
    input_ids = jax.random.randint(k_ids, (BATCH, SEQ_LEN), 0, VOCAB_SIZE, dtype=jnp.int64 if jax.config.jax_enable_x64 else jnp.int32)
    weight = jax.random.normal(k_w, (VOCAB_SIZE, HIDDEN_SIZE), dtype=jnp.float32) * 0.02
    return {"input_ids": input_ids, "weight": weight}

def reference(input_ids, weight):
    # F.embedding(input_ids, weight) -> gather rows of the embedding table
    return jnp.take(weight, input_ids, axis=0)

if __name__ == "__main__":
    import jax
    _d = setup_inputs()
    print(jax.jit(kernel)(*tuple(_d.values())))

</pallas_src>

<mosaic_0001>
#map = affine_map<(d0, d1) -> (0, 0)>
#map1 = affine_map<(d0, d1) -> (0, 0, 0)>
module attributes {stable_mosaic.version = 14 : i64} {
  func.func @k(%arg0: i32, %arg1: i32, %arg2: memref<100000x1024xf32, #tpu.memory_space<hbm>>, %arg3: memref<4x8192xi32, #tpu.memory_space<hbm>>, %arg4: memref<4x8192x1024xf32, #tpu.memory_space<hbm>>, %arg5: memref<1024xi32, #tpu.memory_space<vmem>>, %arg6: memref<8x8x1024xf32, #tpu.memory_space<vmem>>, %arg7: memref<8x!tpu.dma_semaphore, #tpu.memory_space<semaphore_mem>>) attributes {dimension_semantics = [#tpu.dimension_semantics<core_parallel>, #tpu.dimension_semantics<subcore_parallel>], iteration_bounds = array<i64: 2, 16>, scalar_prefetch = 0 : i64, scratch_operands = 3 : i64, tpu.core_type = #tpu.core_type<sc_vector_subcore>, window_params = [{transform_indices = #map}, {transform_indices = #map}, {transform_indices = #map1}]} {
    %mul3A = arith.constant 2 : i32
    %mul3A_0 = arith.muli %arg1, %mul3A : i32
    %add3A = arith.addi %mul3A_0, %arg0 : i32
    %jit3A = arith.constant 8 : i32
    %div3A = arith.divsi %add3A, %jit3A : i32
    %sign3A = arith.constant 0 : i32
    %sign3A_1 = arith.cmpi sgt, %add3A, %sign3A : i32
    %sign3A_2 = arith.extui %sign3A_1 : i1 to i32
    %sign3A_3 = arith.constant 0 : i32
    %sign3A_4 = arith.cmpi slt, %add3A, %sign3A_3 : i32
    %sign3A_5 = arith.extui %sign3A_4 : i1 to i32
    %sign3A_6 = arith.subi %sign3A_2, %sign3A_5 : i32
    %sign3A_7 = arith.constant 0 : i32
    %sign3A_8 = arith.cmpi sgt, %jit3A, %sign3A_7 : i32
    %sign3A_9 = arith.extui %sign3A_8 : i1 to i32
    %sign3A_10 = arith.constant 0 : i32
    %sign3A_11 = arith.cmpi slt, %jit3A, %sign3A_10 : i32
    %sign3A_12 = arith.extui %sign3A_11 : i1 to i32
    %sign3A_13 = arith.subi %sign3A_9, %sign3A_12 : i32
    %ne3A = arith.cmpi ne, %sign3A_6, %sign3A_13 : i32
    %rem3A = arith.remsi %add3A, %jit3A : i32
    %ne3A_14 = arith.constant 0 : i32
    %ne3A_15 = arith.cmpi ne, %rem3A, %ne3A_14 : i32
    %and3A = arith.andi %ne3A, %ne3A_15 : i1
    %sub3A = arith.constant 1 : i32
    %sub3A_16 = arith.subi %div3A, %sub3A : i32
    %select_n3A = arith.select %and3A, %sub3A_16, %div3A : i32
    %jit3A_17 = arith.constant 8 : i32
    %eq3A = arith.constant 0 : i32
    %eq3A_18 = arith.cmpi eq, %jit3A_17, %eq3A : i32
    %jit3A_19 = arith.constant 1 : i32
    %select_n3A_20 = arith.select %eq3A_18, %jit3A_19, %jit3A_17 : i32
    %rem3A_21 = arith.remsi %add3A, %select_n3A_20 : i32
    %ne3A_22 = arith.constant 0 : i32
    %ne3A_23 = arith.cmpi ne, %rem3A_21, %ne3A_22 : i32
    %lt3A = arith.constant 0 : i32
    %lt3A_24 = arith.cmpi slt, %rem3A_21, %lt3A : i32
    %lt3A_25 = arith.constant 0 : i32
    %lt3A_26 = arith.cmpi slt, %select_n3A_20, %lt3A_25 : i32
    %ne3A_27 = arith.xori %lt3A_24, %lt3A_26 : i1
    %and3A_28 = arith.andi %ne3A_27, %ne3A_23 : i1
    %add3A_29 = arith.addi %rem3A_21, %select_n3A_20 : i32
    %select_n3A_30 = arith.select %and3A_28, %add3A_29, %rem3A_21 : i32
    %mul3A_31 = arith.constant 1024 : i32
    %mul3A_32 = arith.muli %select_n3A_30, %mul3A_31 : i32
    "tpu.region"() ({
      %run_scoped3A_267 = tpu.sem_alloc : memref<!tpu.dma_semaphore, #tpu.memory_space<semaphore_mem>>
      %dma_start3A_268 = tpu.memref_slice %arg3[%select_n3A, %mul3A_32] : memref<4x8192xi32, #tpu.memory_space<hbm>> -> memref<1x1024xi32, #tpu.memory_space<hbm>>
      %dma_start3A_269 = tpu.memref_squeeze %dma_start3A_268 : memref<1x1024xi32, #tpu.memory_space<hbm>> -> memref<1024xi32, #tpu.memory_space<hbm>>
      %dma_start3A_270 = tpu.memref_slice %arg3[%select_n3A, %mul3A_32] : memref<4x8192xi32, #tpu.memory_space<hbm>> -> memref<1x1024xi32, #tpu.memory_space<hbm>>
      %dma_start3A_271 = tpu.memref_squeeze %dma_start3A_270 : memref<1x1024xi32, #tpu.memory_space<hbm>> -> memref<1024xi32, #tpu.memory_space<hbm>>
      tpu.enqueue_dma source(%dma_start3A_271 : memref<1024xi32, #tpu.memory_space<hbm>>) target(%arg5 : memref<1024xi32, #tpu.memory_space<vmem>>) target_semaphore(%run_scoped3A_267 : memref<!tpu.dma_semaphore, #tpu.memory_space<semaphore_mem>>)
      %dma_wait3A_272 = tpu.memref_slice %arg3[%select_n3A, %mul3A_32] : memref<4x8192xi32, #tpu.memory_space<hbm>> -> memref<1x1024xi32, #tpu.memory_space<hbm>>
      %dma_wait3A_273 = tpu.memref_squeeze %dma_wait3A_272 : memref<1x1024xi32, #tpu.memory_space<hbm>> -> memref<1024xi32, #tpu.memory_space<hbm>>
      %dma_wait3A_274 = tpu.memref_slice %arg3[%select_n3A, %mul3A_32] : memref<4x8192xi32, #tpu.memory_space<hbm>> -> memref<1x1024xi32, #tpu.memory_space<hbm>>
      %dma_wait3A_275 = tpu.memref_squeeze %dma_wait3A_274 : memref<1x1024xi32, #tpu.memory_space<hbm>> -> memref<1024xi32, #tpu.memory_space<hbm>>
      tpu.wait_dma2 semaphore(%run_scoped3A_267 : memref<!tpu.dma_semaphore, #tpu.memory_space<semaphore_mem>>) src(%dma_wait3A_275 : memref<1024xi32, #tpu.memory_space<hbm>>) dst(%arg5 : memref<1024xi32, #tpu.memory_space<vmem>>)
      tpu.yield
    }) : () -> ()
    %dma_start3A = arith.constant 0 : i32
    %dma_start3A_33 = arith.constant 0 : i32
    %dma_start3A_34 = arith.constant 0 : i32
    %dma_start3A_35 = arith.constant 0 : i32
    %dma_start3A_36 = tpu.memref_slice %arg6[%dma_start3A, %dma_start3A_34, %dma_start3A_35] : memref<8x8x1024xf32, #tpu.memory_space<vmem>> -> memref<1x8x1024xf32, #tpu.memory_space<vmem>>
    %dma_start3A_37 = tpu.memref_squeeze %dma_start3A_36 : memref<1x8x1024xf32, #tpu.memory_space<vmem>> -> memref<8x1024xf32, #tpu.memory_space<vmem>>
    %dma_start3A_38 = arith.constant 0 : i32
    %dma_start3A_39 = tpu.memref_slice %arg5[%dma_start3A_38] : memref<1024xi32, #tpu.memory_space<vmem>> -> memref<8xi32, #tpu.memory_space<vmem>>
    %dma_start3A_40 = arith.constant 0 : i32
    %dma_start3A_41 = arith.constant 0 : i32
    %dma_start3A_42 = tpu.memref_slice %arg2[%dma_start3A_40, %dma_start3A_41] : memref<100000x1024xf32, #tpu.memory_space<hbm>> -> memref<100000x1024xf32, #tpu.memory_space<hbm>>
    %dma_start3A_43 = tpu.memref_slice %arg7[%dma_start3A_33] : memref<8x!tpu.dma_semaphore, #tpu.memory_space<semaphore_mem>> -> memref<1x!tpu.dma_semaphore, #tpu.memory_space<semaphore_mem>>
    %dma_start3A_44 = tpu.memref_squeeze %dma_start3A_43 : memref<1x!tpu.dma_semaphore, #tpu.memory_space<semaphore_mem>> -> memref<!tpu.dma_semaphore, #tpu.memory_space<semaphore_mem>>
    tpu.enqueue_indirect_dma source(%dma_start3A_42 : memref<100000x1024xf32, #tpu.memory_space<hbm>>) target(%dma_start3A_37 : memref<8x1024xf32, #tpu.memory_space<vmem>>) offsets(%dma_start3A_39 : memref<8xi32, #tpu.memory_space<vmem>>) semaphore(%dma_start3A_44 : memref<!tpu.dma_semaphore, #tpu.memory_space<semaphore_mem>>)
    %dma_start3A_45 = arith.constant 1 : i32
    %dma_start3A_46 = arith.constant 1 : i32
    %dma_start3A_47 = arith.constant 0 : i32
    %dma_start3A_48 = arith.constant 0 : i32
    %dma_start3A_49 = tpu.memref_slice %arg6[%dma_start3A_45, %dma_start3A_47, %dma_start3A_48] : memref<8x8x1024xf32, #tpu.memory_space<vmem>> -> memref<1x8x1024xf32, #tpu.memory_space<vmem>>
    %dma_start3A_50 = tpu.memref_squeeze %dma_start3A_49 : memref<1x8x1024xf32, #tpu.memory_space<vmem>> -> memref<8x1024xf32, #tpu.memory_space<vmem>>
    %dma_start3A_51 = arith.constant 8 : i32
    %dma_start3A_52 = tpu.memref_slice %arg5[%dma_start3A_51] : memref<1024xi32, #tpu.memory_space<vmem>> -> memref<8xi32, #tpu.memory_space<vmem>>
    %dma_start3A_53 = arith.constant 0 : i32
    %dma_start3A_54 = arith.constant 0 : i32
    %dma_start3A_55 = tpu.memref_slice %arg2[%dma_start3A_53, %dma_start3A_54] : memref<100000x1024xf32, #tpu.memory_space<hbm>> -> memref<100000x1024xf32, #tpu.memory_space<hbm>>
    %dma_start3A_56 = tpu.memref_slice %arg7[%dma_start3A_46] : memref<8x!tpu.dma_semaphore, #tpu.memory_space<semaphore_mem>> -> memref<1x!tpu.dma_semaphore, #tpu.memory_space<semaphore_mem>>
    %dma_start3A_57 = tpu.memref_squeeze %dma_start3A_56 : memref<1x!tpu.dma_semaphore, #tpu.memory_space<semaphore_mem>> -> memref<!tpu.dma_semaphore, #tpu.memory_space<semaphore_mem>>
    tpu.enqueue_indirect_dma source(%dma_start3A_55 : memref<100000x1024xf32, #tpu.memory_space<hbm>>) target(%dma_start3A_50 : memref<8x1024xf32, #tpu.memory_space<vmem>>) offsets(%dma_start3A_52 : memref<8xi32, #tpu.memory_space<vmem>>) semaphore(%dma_start3A_57 : memref<!tpu.dma_semaphore, #tpu.memory_space<semaphore_mem>>)
    %dma_start3A_58 = arith.constant 2 : i32
    %dma_start3A_59 = arith.constant 2 : i32
    %dma_start3A_60 = arith.constant 0 : i32
    %dma_start3A_61 = arith.constant 0 : i32
    %dma_start3A_62 = tpu.memref_slice %arg6[%dma_start3A_58, %dma_start3A_60, %dma_start3A_61] : memref<8x8x1024xf32, #tpu.memory_space<vmem>> -> memref<1x8x1024xf32, #tpu.memory_space<vmem>>
    %dma_start3A_63 = tpu.memref_squeeze %dma_start3A_62 : memref<1x8x1024xf32, #tpu.memory_space<vmem>> -> memref<8x1024xf32, #tpu.memory_space<vmem>>
    %dma_start3A_64 = arith.constant 16 : i32
    %dma_start3A_65 = tpu.memref_slice %arg5[%dma_start3A_64] : memref<1024xi32, #tpu.memory_space<vmem>> -> memref<8xi32, #tpu.memory_space<vmem>>
    %dma_start3A_66 = arith.constant 0 : i32
    %dma_start3A_67 = arith.constant 0 : i32
    %dma_start3A_68 = tpu.memref_slice %arg2[%dma_start3A_66, %dma_start3A_67] : memref<100000x1024xf32, #tpu.memory_space<hbm>> -> memref<100000x1024xf32, #tpu.memory_space<hbm>>
    %dma_start3A_69 = tpu.memref_slice %arg7[%dma_start3A_59] : memref<8x!tpu.dma_semaphore, #tpu.memory_space<semaphore_mem>> -> memref<1x!tpu.dma_semaphore, #tpu.memory_space<semaphore_mem>>
    %dma_start3A_70 = tpu.memref_squeeze %dma_start3A_69 : memref<1x!tpu.dma_semaphore, #tpu.memory_space<semaphore_mem>> -> memref<!tpu.dma_semaphore, #tpu.memory_space<semaphore_mem>>
    tpu.enqueue_indirect_dma source(%dma_start3A_68 : memref<100000x1024xf32, #tpu.memory_space<hbm>>) target(%dma_start3A_63 : memref<8x1024xf32, #tpu.memory_space<vmem>>) offsets(%dma_start3A_65 : memref<8xi32, #tpu.memory_space<vmem>>) semaphore(%dma_start3A_70 : memref<!tpu.dma_semaphore, #tpu.memory_space<semaphore_mem>>)
    %dma_start3A_71 = arith.constant 3 : i32
    %dma_start3A_72 = arith.constant 3 : i32
    %dma_start3A_73 = arith.constant 0 : i32
    %dma_start3A_74 = arith.constant 0 : i32
    %dma_start3A_75 = tpu.memref_slice %arg6[%dma_start3A_71, %dma_start3A_73, %dma_start3A_74] : memref<8x8x1024xf32, #tpu.memory_space<vmem>> -> memref<1x8x1024xf32, #tpu.memory_space<vmem>>
    %dma_start3A_76 = tpu.memref_squeeze %dma_start3A_75 : memref<1x8x1024xf32, #tpu.memory_space<vmem>> -> memref<8x1024xf32, #tpu.memory_space<vmem>>
    %dma_start3A_77 = arith.constant 24 : i32
    %dma_start3A_78 = tpu.memref_slice %arg5[%dma_start3A_77] : memref<1024xi32, #tpu.memory_space<vmem>> -> memref<8xi32, #tpu.memory_space<vmem>>
    %dma_start3A_79 = arith.constant 0 : i32
    %dma_start3A_80 = arith.constant 0 : i32
    %dma_start3A_81 = tpu.memref_slice %arg2[%dma_start3A_79, %dma_start3A_80] : memref<100000x1024xf32, #tpu.memory_space<hbm>> -> memref<100000x1024xf32, #tpu.memory_space<hbm>>
    %dma_start3A_82 = tpu.memref_slice %arg7[%dma_start3A_72] : memref<8x!tpu.dma_semaphore, #tpu.memory_space<semaphore_mem>> -> memref<1x!tpu.dma_semaphore, #tpu.memory_space<semaphore_mem>>
    %dma_start3A_83 = tpu.memref_squeeze %dma_start3A_82 : memref<1x!tpu.dma_semaphore, #tpu.memory_space<semaphore_mem>> -> memref<!tpu.dma_semaphore, #tpu.memory_space<semaphore_mem>>
    tpu.enqueue_indirect_dma source(%dma_start3A_81 : memref<100000x1024xf32, #tpu.memory_space<hbm>>) target(%dma_start3A_76 : memref<8x1024xf32, #tpu.memory_space<vmem>>) offsets(%dma_start3A_78 : memref<8xi32, #tpu.memory_space<vmem>>) semaphore(%dma_start3A_83 : memref<!tpu.dma_semaphore, #tpu.memory_space<semaphore_mem>>)
    %dma_start3A_84 = arith.constant 4 : i32
    %dma_start3A_85 = arith.constant 4 : i32
    %dma_start3A_86 = arith.constant 0 : i32
    %dma_start3A_87 = arith.constant 0 : i32
    %dma_start3A_88 = tpu.memref_slice %arg6[%dma_start3A_84, %dma_start3A_86, %dma_start3A_87] : memref<8x8x1024xf32, #tpu.memory_space<vmem>> -> memref<1x8x1024xf32, #tpu.memory_space<vmem>>
    %dma_start3A_89 = tpu.memref_squeeze %dma_start3A_88 : memref<1x8x1024xf32, #tpu.memory_space<vmem>> -> memref<8x1024xf32, #tpu.memory_space<vmem>>
    %dma_start3A_90 = arith.constant 32 : i32
    %dma_start3A_91 = tpu.memref_slice %arg5[%dma_start3A_90] : memref<1024xi32, #tpu.memory_space<vmem>> -> memref<8xi32, #tpu.memory_space<vmem>>
    %dma_start3A_92 = arith.constant 0 : i32
    %dma_start3A_93 = arith.constant 0 : i32
    %dma_start3A_94 = tpu.memref_slice %arg2[%dma_start3A_92, %dma_start3A_93] : memref<100000x1024xf32, #tpu.memory_space<hbm>> -> memref<100000x1024xf32, #tpu.memory_space<hbm>>
    %dma_start3A_95 = tpu.memref_slice %arg7[%dma_start3A_85] : memref<8x!tpu.dma_semaphore, #tpu.memory_space<semaphore_mem>> -> memref<1x!tpu.dma_semaphore, #tpu.memory_space<semaphore_mem>>
    %dma_start3A_96 = tpu.memref_squeeze %dma_start3A_95 : memref<1x!tpu.dma_semaphore, #tpu.memory_space<semaphore_mem>> -> memref<!tpu.dma_semaphore, #tpu.memory_space<semaphore_mem>>
    tpu.enqueue_indirect_dma source(%dma_start3A_94 : memref<100000x1024xf32, #tpu.memory_space<hbm>>) target(%dma_start3A_89 : memref<8x1024xf32, #tpu.memory_space<vmem>>) offsets(%dma_start3A_91 : memref<8xi32, #tpu.memory_space<vmem>>) semaphore(%dma_start3A_96 : memref<!tpu.dma_semaphore, #tpu.memory_space<semaphore_mem>>)
    %dma_start3A_97 = arith.constant 5 : i32
    %dma_start3A_98 = arith.constant 5 : i32
    %dma_start3A_99 = arith.constant 0 : i32
    %dma_start3A_100 = arith.constant 0 : i32
    %dma_start3A_101 = tpu.memref_slice %arg6[%dma_start3A_97, %dma_start3A_99, %dma_start3A_100] : memref<8x8x1024xf32, #tpu.memory_space<vmem>> -> memref<1x8x1024xf32, #tpu.memory_space<vmem>>
    %dma_start3A_102 = tpu.memref_squeeze %dma_start3A_101 : memref<1x8x1024xf32, #tpu.memory_space<vmem>> -> memref<8x1024xf32, #tpu.memory_space<vmem>>
    %dma_start3A_103 = arith.constant 40 : i32
    %dma_start3A_104 = tpu.memref_slice %arg5[%dma_start3A_103] : memref<1024xi32, #tpu.memory_space<vmem>> -> memref<8xi32, #tpu.memory_space<vmem>>
    %dma_start3A_105 = arith.constant 0 : i32
    %dma_start3A_106 = arith.constant 0 : i32
    %dma_start3A_107 = tpu.memref_slice %arg2[%dma_start3A_105, %dma_start3A_106] : memref<100000x1024xf32, #tpu.memory_space<hbm>> -> memref<100000x1024xf32, #tpu.memory_space<hbm>>
    %dma_start3A_108 = tpu.memref_slice %arg7[%dma_start3A_98] : memref<8x!tpu.dma_semaphore, #tpu.memory_space<semaphore_mem>> -> memref<1x!tpu.dma_semaphore, #tpu.memory_space<semaphore_mem>>
    %dma_start3A_109 = tpu.memref_squeeze %dma_start3A_108 : memref<1x!tpu.dma_semaphore, #tpu.memory_space<semaphore_mem>> -> memref<!tpu.dma_semaphore, #tpu.memory_space<semaphore_mem>>
    tpu.enqueue_indirect_dma source(%dma_start3A_107 : memref<100000x1024xf32, #tpu.memory_space<hbm>>) target(%dma_start3A_102 : memref<8x1024xf32, #tpu.memory_space<vmem>>) offsets(%dma_start3A_104 : memref<8xi32, #tpu.memory_space<vmem>>) semaphore(%dma_start3A_109 : memref<!tpu.dma_semaphore, #tpu.memory_space<semaphore_mem>>)
    %dma_start3A_110 = arith.constant 6 : i32
    %dma_start3A_111 = arith.constant 6 : i32
    %dma_start3A_112 = arith.constant 0 : i32
    %dma_start3A_113 = arith.constant 0 : i32
    %dma_start3A_114 = tpu.memref_slice %arg6[%dma_start3A_110, %dma_start3A_112, %dma_start3A_113] : memref<8x8x1024xf32, #tpu.memory_space<vmem>> -> memref<1x8x1024xf32, #tpu.memory_space<vmem>>
    %dma_start3A_115 = tpu.memref_squeeze %dma_start3A_114 : memref<1x8x1024xf32, #tpu.memory_space<vmem>> -> memref<8x1024xf32, #tpu.memory_space<vmem>>
    %dma_start3A_116 = arith.constant 48 : i32
    %dma_start3A_117 = tpu.memref_slice %arg5[%dma_start3A_116] : memref<1024xi32, #tpu.memory_space<vmem>> -> memref<8xi32, #tpu.memory_space<vmem>>
    %dma_start3A_118 = arith.constant 0 : i32
    %dma_start3A_119 = arith.constant 0 : i32
    %dma_start3A_120 = tpu.memref_slice %arg2[%dma_start3A_118, %dma_start3A_119] : memref<100000x1024xf32, #tpu.memory_space<hbm>> -> memref<100000x1024xf32, #tpu.memory_space<hbm>>
    %dma_start3A_121 = tpu.memref_slice %arg7[%dma_start3A_111] : memref<8x!tpu.dma_semaphore, #tpu.memory_space<semaphore_mem>> -> memref<1x!tpu.dma_semaphore, #tpu.memory_space<semaphore_mem>>
    %dma_start3A_122 = tpu.memref_squeeze %dma_start3A_121 : memref<1x!tpu.dma_semaphore, #tpu.memory_space<semaphore_mem>> -> memref<!tpu.dma_semaphore, #tpu.memory_space<semaphore_mem>>
    tpu.enqueue_indirect_dma source(%dma_start3A_120 : memref<100000x1024xf32, #tpu.memory_space<hbm>>) target(%dma_start3A_115 : memref<8x1024xf32, #tpu.memory_space<vmem>>) offsets(%dma_start3A_117 : memref<8xi32, #tpu.memory_space<vmem>>) semaphore(%dma_start3A_122 : memref<!tpu.dma_semaphore, #tpu.memory_space<semaphore_mem>>)
    %dma_start3A_123 = arith.constant 7 : i32
    %dma_start3A_124 = arith.constant 7 : i32
    %dma_start3A_125 = arith.constant 0 : i32
    %dma_start3A_126 = arith.constant 0 : i32
    %dma_start3A_127 = tpu.memref_slice %arg6[%dma_start3A_123, %dma_start3A_125, %dma_start3A_126] : memref<8x8x1024xf32, #tpu.memory_space<vmem>> -> memref<1x8x1024xf32, #tpu.memory_space<vmem>>
    %dma_start3A_128 = tpu.memref_squeeze %dma_start3A_127 : memref<1x8x1024xf32, #tpu.memory_space<vmem>> -> memref<8x1024xf32, #tpu.memory_space<vmem>>
    %dma_start3A_129 = arith.constant 56 : i32
    %dma_start3A_130 = tpu.memref_slice %arg5[%dma_start3A_129] : memref<1024xi32, #tpu.memory_space<vmem>> -> memref<8xi32, #tpu.memory_space<vmem>>
    %dma_start3A_131 = arith.constant 0 : i32
    %dma_start3A_132 = arith.constant 0 : i32
    %dma_start3A_133 = tpu.memref_slice %arg2[%dma_start3A_131, %dma_start3A_132] : memref<100000x1024xf32, #tpu.memory_space<hbm>> -> memref<100000x1024xf32, #tpu.memory_space<hbm>>
    %dma_start3A_134 = tpu.memref_slice %arg7[%dma_start3A_124] : memref<8x!tpu.dma_semaphore, #tpu.memory_space<semaphore_mem>> -> memref<1x!tpu.dma_semaphore, #tpu.memory_space<semaphore_mem>>
    %dma_start3A_135 = tpu.memref_squeeze %dma_start3A_134 : memref<1x!tpu.dma_semaphore, #tpu.memory_space<semaphore_mem>> -> memref<!tpu.dma_semaphore, #tpu.memory_space<semaphore_mem>>
    tpu.enqueue_indirect_dma source(%dma_start3A_133 : memref<100000x1024xf32, #tpu.memory_space<hbm>>) target(%dma_start3A_128 : memref<8x1024xf32, #tpu.memory_space<vmem>>) offsets(%dma_start3A_130 : memref<8xi32, #tpu.memory_space<vmem>>) semaphore(%dma_start3A_135 : memref<!tpu.dma_semaphore, #tpu.memory_space<semaphore_mem>>)
    %scan3A = arith.constant 0 : i32
    %scan3A_136 = arith.constant 0 : i32
    %scan3A_137 = arith.constant 15 : i32
    %scan3A_138 = arith.addi %scan3A_136, %scan3A_137 : i32
    %scan3A_139 = arith.constant 1 : i32
    scf.for %scan3A_267 = %scan3A_136 to %scan3A_138 step %scan3A_139  : i32 {
      %mul3A_268 = arith.constant 8 : i32
      %mul3A_269 = arith.muli %scan3A_267, %mul3A_268 : i32
      %add3A_270 = arith.constant 0 : i32
      %add3A_271 = arith.addi %mul3A_269, %add3A_270 : i32
      %mul3A_272 = arith.constant 8 : i32
      %mul3A_273 = arith.muli %add3A_271, %mul3A_272 : i32
      %dma_wait3A_274 = arith.constant 0 : i32
      %dma_wait3A_275 = arith.constant 0 : i32
      %dma_wait3A_276 = arith.constant 0 : i32
      %dma_wait3A_277 = arith.constant 0 : i32
      %dma_wait3A_278 = tpu.memref_slice %arg6[%dma_wait3A_274, %dma_wait3A_276, %dma_wait3A_277] : memref<8x8x1024xf32, #tpu.memory_space<vmem>> -> memref<1x8x1024xf32, #tpu.memory_space<vmem>>
      %dma_wait3A_279 = tpu.memref_squeeze %dma_wait3A_278 : memref<1x8x1024xf32, #tpu.memory_space<vmem>> -> memref<8x1024xf32, #tpu.memory_space<vmem>>
      %dma_wait3A_280 = tpu.memref_slice %arg5[%mul3A_273] : memref<1024xi32, #tpu.memory_space<vmem>> -> memref<8xi32, #tpu.memory_space<vmem>>
      %dma_wait3A_281 = arith.constant 0 : i32
      %dma_wait3A_282 = arith.constant 0 : i32
      %dma_wait3A_283 = tpu.memref_slice %arg2[%dma_wait3A_281, %dma_wait3A_282] : memref<100000x1024xf32, #tpu.memory_space<hbm>> -> memref<100000x1024xf32, #tpu.memory_space<hbm>>
      %dma_wait3A_284 = tpu.memref_slice %arg7[%dma_wait3A_275] : memref<8x!tpu.dma_semaphore, #tpu.memory_space<semaphore_mem>> -> memref<1x!tpu.dma_semaphore, #tpu.memory_space<semaphore_mem>>
      %dma_wait3A_285 = tpu.memref_squeeze %dma_wait3A_284 : memref<1x!tpu.dma_semaphore, #tpu.memory_space<semaphore_mem>> -> memref<!tpu.dma_semaphore, #tpu.memory_space<semaphore_mem>>
      tpu.wait_indirect_dma semaphore(%dma_wait3A_285 : memref<!tpu.dma_semaphore, #tpu.memory_space<semaphore_mem>>) src(%dma_wait3A_283 : memref<100000x1024xf32, #tpu.memory_space<hbm>>) dst(%dma_wait3A_279 : memref<8x1024xf32, #tpu.memory_space<vmem>>)
      %mul3A_286 = arith.constant 8 : i32
      %mul3A_287 = arith.muli %add3A_271, %mul3A_286 : i32
      %add3A_288 = arith.addi %mul3A_32, %mul3A_287 : i32
      %run_scoped3A_289 = arith.constant 0 : i32
      "tpu.region"() ({
        %run_scoped3A_572 = tpu.sem_alloc : memref<!tpu.dma_semaphore, #tpu.memory_space<semaphore_mem>>
        %dma_start3A_573 = arith.constant 0 : i32
        %dma_start3A_574 = arith.constant 0 : i32
        %dma_start3A_575 = tpu.memref_slice %arg6[%run_scoped3A_289, %dma_start3A_573, %dma_start3A_574] : memref<8x8x1024xf32, #tpu.memory_space<vmem>> -> memref<1x8x1024xf32, #tpu.memory_space<vmem>>
        %dma_start3A_576 = tpu.memref_squeeze %dma_start3A_575 : memref<1x8x1024xf32, #tpu.memory_space<vmem>> -> memref<8x1024xf32, #tpu.memory_space<vmem>>
        %dma_start3A_577 = arith.constant 0 : i32
        %dma_start3A_578 = tpu.memref_slice %arg4[%select_n3A, %add3A_288, %dma_start3A_577] : memref<4x8192x1024xf32, #tpu.memory_space<hbm>> -> memref<1x8x1024xf32, #tpu.memory_space<hbm>>
        %dma_start3A_579 = tpu.memref_squeeze %dma_start3A_578 : memref<1x8x1024xf32, #tpu.memory_space<hbm>> -> memref<8x1024xf32, #tpu.memory_space<hbm>>
        %dma_start3A_580 = arith.constant 0 : i32
        %dma_start3A_581 = tpu.memref_slice %arg4[%select_n3A, %add3A_288, %dma_start3A_580] : memref<4x8192x1024xf32, #tpu.memory_space<hbm>> -> memref<1x8x1024xf32, #tpu.memory_space<hbm>>
        %dma_start3A_582 = tpu.memref_squeeze %dma_start3A_581 : memref<1x8x1024xf32, #tpu.memory_space<hbm>> -> memref<8x1024xf32, #tpu.memory_space<hbm>>
        %dma_start3A_583 = arith.constant 0 : i32
        %dma_start3A_584 = arith.constant 0 : i32
        %dma_start3A_585 = tpu.memref_slice %arg6[%run_scoped3A_289, %dma_start3A_583, %dma_start3A_584] : memref<8x8x1024xf32, #tpu.memory_space<vmem>> -> memref<1x8x1024xf32, #tpu.memory_space<vmem>>
        %dma_start3A_586 = tpu.memref_squeeze %dma_start3A_585 : memref<1x8x1024xf32, #tpu.memory_space<vmem>> -> memref<8x1024xf32, #tpu.memory_space<vmem>>
        tpu.enqueue_dma source(%dma_start3A_586 : memref<8x1024xf32, #tpu.memory_space<vmem>>) target(%dma_start3A_582 : memref<8x1024xf32, #tpu.memory_space<hbm>>) target_semaphore(%run_scoped3A_572 : memref<!tpu.dma_semaphore, #tpu.memory_space<semaphore_mem>>)
        %dma_wait3A_587 = arith.constant 0 : i32
        %dma_wait3A_588 = arith.constant 0 : i32
        %dma_wait3A_589 = tpu.memref_slice %arg6[%run_scoped3A_289, %dma_wait3A_587, %dma_wait3A_588] : memref<8x8x1024xf32, #tpu.memory_space<vmem>> -> memref<1x8x1024xf32, #tpu.memory_space<vmem>>
        %dma_wait3A_590 = tpu.memref_squeeze %dma_wait3A_589 : memref<1x8x1024xf32, #tpu.memory_space<vmem>> -> memref<8x1024xf32, #tpu.memory_space<vmem>>
        %dma_wait3A_591 = arith.constant 0 : i32
        %dma_wait3A_592 = tpu.memref_slice %arg4[%select_n3A, %add3A_288, %dma_wait3A_591] : memref<4x8192x1024xf32, #tpu.memory_space<hbm>> -> memref<1x8x1024xf32, #tpu.memory_space<hbm>>
        %dma_wait3A_593 = tpu.memref_squeeze %dma_wait3A_592 : memref<1x8x1024xf32, #tpu.memory_space<hbm>> -> memref<8x1024xf32, #tpu.memory_space<hbm>>
        %dma_wait3A_594 = arith.constant 0 : i32
        %dma_wait3A_595 = tpu.memref_slice %arg4[%select_n3A, %add3A_288, %dma_wait3A_594] : memref<4x8192x1024xf32, #tpu.memory_space<hbm>> -> memref<1x8x1024xf32, #tpu.memory_space<hbm>>
        %dma_wait3A_596 = tpu.memref_squeeze %dma_wait3A_595 : memref<1x8x1024xf32, #tpu.memory_space<hbm>> -> memref<8x1024xf32, #tpu.memory_space<hbm>>
        %dma_wait3A_597 = arith.constant 0 : i32
        %dma_wait3A_598 = arith.constant 0 : i32
        %dma_wait3A_599 = tpu.memref_slice %arg6[%run_scoped3A_289, %dma_wait3A_597, %dma_wait3A_598] : memref<8x8x1024xf32, #tpu.memory_space<vmem>> -> memref<1x8x1024xf32, #tpu.memory_space<vmem>>
        %dma_wait3A_600 = tpu.memref_squeeze %dma_wait3A_599 : memref<1x8x1024xf32, #tpu.memory_space<vmem>> -> memref<8x1024xf32, #tpu.memory_space<vmem>>
        tpu.wait_dma2 semaphore(%run_scoped3A_572 : memref<!tpu.dma_semaphore, #tpu.memory_space<semaphore_mem>>) src(%dma_wait3A_600 : memref<8x1024xf32, #tpu.memory_space<vmem>>) dst(%dma_wait3A_596 : memref<8x1024xf32, #tpu.memory_space<hbm>>)
        tpu.yield
      }) : () -> ()
      %add3A_290 = arith.constant 8 : i32
      %add3A_291 = arith.addi %add3A_271, %add3A_290 : i32
      %mul3A_292 = arith.constant 8 : i32
      %mul3A_293 = arith.muli %add3A_291, %mul3A_292 : i32
      %dma_start3A_294 = arith.constant 0 : i32
      %dma_start3A_295 = arith.constant 0 : i32
      %dma_start3A_296 = arith.constant 0 : i32
      %dma_start3A_297 = arith.constant 0 : i32
      %dma_start3A_298 = tpu.memref_slice %arg6[%dma_start3A_294, %dma_start3A_296, %dma_start3A_297] : memref<8x8x1024xf32, #tpu.memory_space<vmem>> -> memref<1x8x1024xf32, #tpu.memory_space<vmem>>
      %dma_start3A_299 = tpu.memref_squeeze %dma_start3A_298 : memref<1x8x1024xf32, #tpu.memory_space<vmem>> -> memref<8x1024xf32, #tpu.memory_space<vmem>>
      %dma_start3A_300 = tpu.memref_slice %arg5[%mul3A_293] : memref<1024xi32, #tpu.memory_space<vmem>> -> memref<8xi32, #tpu.memory_space<vmem>>
      %dma_start3A_301 = arith.constant 0 : i32
      %dma_start3A_302 = arith.constant 0 : i32
      %dma_start3A_303 = tpu.memref_slice %arg2[%dma_start3A_301, %dma_start3A_302] : memref<100000x1024xf32, #tpu.memory_space<hbm>> -> memref<100000x1024xf32, #tpu.memory_space<hbm>>
      %dma_start3A_304 = tpu.memref_slice %arg7[%dma_start3A_295] : memref<8x!tpu.dma_semaphore, #tpu.memory_space<semaphore_mem>> -> memref<1x!tpu.dma_semaphore, #tpu.memory_space<semaphore_mem>>
      %dma_start3A_305 = tpu.memref_squeeze %dma_start3A_304 : memref<1x!tpu.dma_semaphore, #tpu.memory_space<semaphore_mem>> -> memref<!tpu.dma_semaphore, #tpu.memory_space<semaphore_mem>>
      tpu.enqueue_indirect_dma source(%dma_start3A_303 : memref<100000x1024xf32, #tpu.memory_space<hbm>>) target(%dma_start3A_299 : memref<8x1024xf32, #tpu.memory_space<vmem>>) offsets(%dma_start3A_300 : memref<8xi32, #tpu.memory_space<vmem>>) semaphore(%dma_start3A_305 : memref<!tpu.dma_semaphore, #tpu.memory_space<semaphore_mem>>)
      %mul3A_306 = arith.constant 8 : i32
      %mul3A_307 = arith.muli %scan3A_267, %mul3A_306 : i32
      %add3A_308 = arith.constant 1 : i32
      %add3A_309 = arith.addi %mul3A_307, %add3A_308 : i32
      %mul3A_310 = arith.constant 8 : i32
      %mul3A_311 = arith.muli %add3A_309, %mul3A_310 : i32
      %dma_wait3A_312 = arith.constant 1 : i32
      %dma_wait3A_313 = arith.constant 1 : i32
      %dma_wait3A_314 = arith.constant 0 : i32
      %dma_wait3A_315 = arith.constant 0 : i32
      %dma_wait3A_316 = tpu.memref_slice %arg6[%dma_wait3A_312, %dma_wait3A_314, %dma_wait3A_315] : memref<8x8x1024xf32, #tpu.memory_space<vmem>> -> memref<1x8x1024xf32, #tpu.memory_space<vmem>>
      %dma_wait3A_317 = tpu.memref_squeeze %dma_wait3A_316 : memref<1x8x1024xf32, #tpu.memory_space<vmem>> -> memref<8x1024xf32, #tpu.memory_space<vmem>>
      %dma_wait3A_318 = tpu.memref_slice %arg5[%mul3A_311] : memref<1024xi32, #tpu.memory_space<vmem>> -> memref<8xi32, #tpu.memory_space<vmem>>
      %dma_wait3A_319 = arith.constant 0 : i32
      %dma_wait3A_320 = arith.constant 0 : i32
      %dma_wait3A_321 = tpu.memref_slice %arg2[%dma_wait3A_319, %dma_wait3A_320] : memref<100000x1024xf32, #tpu.memory_space<hbm>> -> memref<100000x1024xf32, #tpu.memory_space<hbm>>
      %dma_wait3A_322 = tpu.memref_slice %arg7[%dma_wait3A_313] : memref<8x!tpu.dma_semaphore, #tpu.memory_space<semaphore_mem>> -> memref<1x!tpu.dma_semaphore, #tpu.memory_space<semaphore_mem>>
      %dma_wait3A_323 = tpu.memref_squeeze %dma_wait3A_322 : memref<1x!tpu.dma_semaphore, #tpu.memory_space<semaphore_mem>> -> memref<!tpu.dma_semaphore, #tpu.memory_space<semaphore_mem>>
      tpu.wait_indirect_dma semaphore(%dma_wait3A_323 : memref<!tpu.dma_semaphore, #tpu.memory_space<semaphore_mem>>) src(%dma_wait3A_321 : memref<100000x1024xf32, #tpu.memory_space<hbm>>) dst(%dma_wait3A_317 : memref<8x1024xf32, #tpu.memory_space<vmem>>)
      %mul3A_324 = arith.constant 8 : i32
      %mul3A_325 = arith.muli %add3A_309, %mul3A_324 : i32
      %add3A_326 = arith.addi %mul3A_32, %mul3A_325 : i32
      %run_scoped3A_327 = arith.constant 1 : i32
      "tpu.region"() ({
        %run_scoped3A_572 = tpu.sem_alloc : memref<!tpu.dma_semaphore, #tpu.memory_space<semaphore_mem>>
        %dma_start3A_573 = arith.constant 0 : i32
        %dma_start3A_574 = arith.constant 0 : i32
        %dma_start3A_575 = tpu.memref_slice %arg6[%run_scoped3A_327, %dma_start3A_573, %dma_start3A_574] : memref<8x8x1024xf32, #tpu.memory_space<vmem>> -> memref<1x8x1024xf32, #tpu.memory_space<vmem>>
        %dma_start3A_576 = tpu.memref_squeeze %dma_start3A_575 : memref<1x8x1024xf32, #tpu.memory_space<vmem>> -> memref<8x1024xf32, #tpu.memory_space<vmem>>
        %dma_start3A_577 = arith.constant 0 : i32
        %dma_start3A_578 = tpu.memref_slice %arg4[%select_n3A, %add3A_326, %dma_start3A_577] : memref<4x8192x1024xf32, #tpu.memory_space<hbm>> -> memref<1x8x1024xf32, #tpu.memory_space<hbm>>
        %dma_start3A_579 = tpu.memref_squeeze %dma_start3A_578 : memref<1x8x1024xf32, #tpu.memory_space<hbm>> -> memref<8x1024xf32, #tpu.memory_space<hbm>>
        %dma_start3A_580 = arith.constant 0 : i32
        %dma_start3A_581 = tpu.memref_slice %arg4[%select_n3A, %add3A_326, %dma_start3A_580] : memref<4x8192x1024xf32, #tpu.memory_space<hbm>> -> memref<1x8x1024xf32, #tpu.memory_space<hbm>>
        %dma_start3A_582 = tpu.memref_squeeze %dma_start3A_581 : memref<1x8x1024xf32, #tpu.memory_space<hbm>> -> memref<8x1024xf32, #tpu.memory_space<hbm>>
        %dma_start3A_583 = arith.constant 0 : i32
        %dma_start3A_584 = arith.constant 0 : i32
        %dma_start3A_585 = tpu.memref_slice %arg6[%run_scoped3A_327, %dma_start3A_583, %dma_start3A_584] : memref<8x8x1024xf32, #tpu.memory_space<vmem>> -> memref<1x8x1024xf32, #tpu.memory_space<vmem>>
        %dma_start3A_586 = tpu.memref_squeeze %dma_start3A_585 : memref<1x8x1024xf32, #tpu.memory_space<vmem>> -> memref<8x1024xf32, #tpu.memory_space<vmem>>
        tpu.enqueue_dma source(%dma_start3A_586 : memref<8x1024xf32, #tpu.memory_space<vmem>>) target(%dma_start3A_582 : memref<8x1024xf32, #tpu.memory_space<hbm>>) target_semaphore(%run_scoped3A_572 : memref<!tpu.dma_semaphore, #tpu.memory_space<semaphore_mem>>)
        %dma_wait3A_587 = arith.constant 0 : i32
        %dma_wait3A_588 = arith.constant 0 : i32
        %dma_wait3A_589 = tpu.memref_slice %arg6[%run_scoped3A_327, %dma_wait3A_587, %dma_wait3A_588] : memref<8x8x1024xf32, #tpu.memory_space<vmem>> -> memref<1x8x1024xf32, #tpu.memory_space<vmem>>
        %dma_wait3A_590 = tpu.memref_squeeze %dma_wait3A_589 : memref<1x8x1024xf32, #tpu.memory_space<vmem>> -> memref<8x1024xf32, #tpu.memory_space<vmem>>
        %dma_wait3A_591 = arith.constant 0 : i32
        %dma_wait3A_592 = tpu.memref_slice %arg4[%select_n3A, %add3A_326, %dma_wait3A_591] : memref<4x8192x1024xf32, #tpu.memory_space<hbm>> -> memref<1x8x1024xf32, #tpu.memory_space<hbm>>
        %dma_wait3A_593 = tpu.memref_squeeze %dma_wait3A_592 : memref<1x8x1024xf32, #tpu.memory_space<hbm>> -> memref<8x1024xf32, #tpu.memory_space<hbm>>
        %dma_wait3A_594 = arith.constant 0 : i32
        %dma_wait3A_595 = tpu.memref_slice %arg4[%select_n3A, %add3A_326, %dma_wait3A_594] : memref<4x8192x1024xf32, #tpu.memory_space<hbm>> -> memref<1x8x1024xf32, #tpu.memory_space<hbm>>
        %dma_wait3A_596 = tpu.memref_squeeze %dma_wait3A_595 : memref<1x8x1024xf32, #tpu.memory_space<hbm>> -> memref<8x1024xf32, #tpu.memory_space<hbm>>
        %dma_wait3A_597 = arith.constant 0 : i32
        %dma_wait3A_598 = arith.constant 0 : i32
        %dma_wait3A_599 = tpu.memref_slice %arg6[%run_scoped3A_327, %dma_wait3A_597, %dma_wait3A_598] : memref<8x8x1024xf32, #tpu.memory_space<vmem>> -> memref<1x8x1024xf32, #tpu.memory_space<vmem>>
        %dma_wait3A_600 = tpu.memref_squeeze %dma_wait3A_599 : memref<1x8x1024xf32, #tpu.memory_space<vmem>> -> memref<8x1024xf32, #tpu.memory_space<vmem>>
        tpu.wait_dma2 semaphore(%run_scoped3A_572 : memref<!tpu.dma_semaphore, #tpu.memory_space<semaphore_mem>>) src(%dma_wait3A_600 : memref<8x1024xf32, #tpu.memory_space<vmem>>) dst(%dma_wait3A_596 : memref<8x1024xf32, #tpu.memory_space<hbm>>)
        tpu.yield
      }) : () -> ()
      %add3A_328 = arith.constant 8 : i32
      %add3A_329 = arith.addi %add3A_309, %add3A_328 : i32
      %mul3A_330 = arith.constant 8 : i32
      %mul3A_331 = arith.muli %add3A_329, %mul3A_330 : i32
      %dma_start3A_332 = arith.constant 1 : i32
      %dma_start3A_333 = arith.constant 1 : i32
      %dma_start3A_334 = arith.constant 0 : i32
      %dma_start3A_335 = arith.constant 0 : i32
      %dma_start3A_336 = tpu.memref_slice %arg6[%dma_start3A_332, %dma_start3A_334, %dma_start3A_335] : memref<8x8x1024xf32, #tpu.memory_space<vmem>> -> memref<1x8x1024xf32, #tpu.memory_space<vmem>>
      %dma_start3A_337 = tpu.memref_squeeze %dma_start3A_336 : memref<1x8x1024xf32, #tpu.memory_space<vmem>> -> memref<8x1024xf32, #tpu.memory_space<vmem>>
      %dma_start3A_338 = tpu.memref_slice %arg5[%mul3A_331] : memref<1024xi32, #tpu.memory_space<vmem>> -> memref<8xi32, #tpu.memory_space<vmem>>
      %dma_start3A_339 = arith.constant 0 : i32
      %dma_start3A_340 = arith.constant 0 : i32
      %dma_start3A_341 = tpu.memref_slice %arg2[%dma_start3A_339, %dma_start3A_340] : memref<100000x1024xf32, #tpu.memory_space<hbm>> -> memref<100000x1024xf32, #tpu.memory_space<hbm>>
      %dma_start3A_342 = tpu.memref_slice %arg7[%dma_start3A_333] : memref<8x!tpu.dma_semaphore, #tpu.memory_space<semaphore_mem>> -> memref<1x!tpu.dma_semaphore, #tpu.memory_space<semaphore_mem>>
      %dma_start3A_343 = tpu.memref_squeeze %dma_start3A_342 : memref<1x!tpu.dma_semaphore, #tpu.memory_space<semaphore_mem>> -> memref<!tpu.dma_semaphore, #tpu.memory_space<semaphore_mem>>
      tpu.enqueue_indirect_dma source(%dma_start3A_341 : memref<100000x1024xf32, #tpu.memory_space<hbm>>) target(%dma_start3A_337 : memref<8x1024xf32, #tpu.memory_space<vmem>>) offsets(%dma_start3A_338 : memref<8xi32, #tpu.memory_space<vmem>>) semaphore(%dma_start3A_343 : memref<!tpu.dma_semaphore, #tpu.memory_space<semaphore_mem>>)
      %mul3A_344 = arith.constant 8 : i32
      %mul3A_345 = arith.muli %scan3A_267, %mul3A_344 : i32
      %add3A_346 = arith.constant 2 : i32
      %add3A_347 = arith.addi %mul3A_345, %add3A_346 : i32
      %mul3A_348 = arith.constant 8 : i32
      %mul3A_349 = arith.muli %add3A_347, %mul3A_348 : i32
      %dma_wait3A_350 = arith.constant 2 : i32
      %dma_wait3A_351 = arith.constant 2 : i32
      %dma_wait3A_352 = arith.constant 0 : i32
      %dma_wait3A_353 = arith.constant 0 : i32
      %dma_wait3A_354 = tpu.memref_slice %arg6[%dma_wait3A_350, %dma_wait3A_352, %dma_wait3A_353] : memref<8x8x1024xf32, #tpu.memory_space<vmem>> -> memref<1x8x1024xf32, #tpu.memory_space<vmem>>
      %dma_wait3A_355 = tpu.memref_squeeze %dma_wait3A_354 : memref<1x8x1024xf32, #tpu.memory_space<vmem>> -> memref<8x1024xf32, #tpu.memory_space<vmem>>
      %dma_wait3A_356 = tpu.memref_slice %arg5[%mul3A_349] : memref<1024xi32, #tpu.memory_space<vmem>> -> memref<8xi32, #tpu.memory_space<vmem>>
      %dma_wait3A_357 = arith.constant 0 : i32
      %dma_wait3A_358 = arith.constant 0 : i32
      %dma_wait3A_359 = tpu.memref_slice %arg2[%dma_wait3A_357, %dma_wait3A_358] : memref<100000x1024xf32, #tpu.memory_space<hbm>> -> memref<100000x1024xf32, #tpu.memory_space<hbm>>
      %dma_wait3A_360 = tpu.memref_slice %arg7[%dma_wait3A_351] : memref<8x!tpu.dma_semaphore, #tpu.memory_space<semaphore_mem>> -> memref<1x!tpu.dma_semaphore, #tpu.memory_space<semaphore_mem>>
      %dma_wait3A_361 = tpu.memref_squeeze %dma_wait3A_360 : memref<1x!tpu.dma_semaphore, #tpu.memory_space<semaphore_mem>> -> memref<!tpu.dma_semaphore, #tpu.memory_space<semaphore_mem>>
      tpu.wait_indirect_dma semaphore(%dma_wait3A_361 : memref<!tpu.dma_semaphore, #tpu.memory_space<semaphore_mem>>) src(%dma_wait3A_359 : memref<100000x1024xf32, #tpu.memory_space<hbm>>) dst(%dma_wait3A_355 : memref<8x1024xf32, #tpu.memory_space<vmem>>)
      %mul3A_362 = arith.constant 8 : i32
      %mul3A_363 = arith.muli %add3A_347, %mul3A_362 : i32
      %add3A_364 = arith.addi %mul3A_32, %mul3A_363 : i32
      %run_scoped3A_365 = arith.constant 2 : i32
      "tpu.region"() ({
        %run_scoped3A_572 = tpu.sem_alloc : memref<!tpu.dma_semaphore, #tpu.memory_space<semaphore_mem>>
        %dma_start3A_573 = arith.constant 0 : i32
        %dma_start3A_574 = arith.constant 0 : i32
        %dma_start3A_575 = tpu.memref_slice %arg6[%run_scoped3A_365, %dma_start3A_573, %dma_start3A_574] : memref<8x8x1024xf32, #tpu.memory_space<vmem>> -> memref<1x8x1024xf32, #tpu.memory_space<vmem>>
        %dma_start3A_576 = tpu.memref_squeeze %dma_start3A_575 : memref<1x8x1024xf32, #tpu.memory_space<vmem>> -> memref<8x1024xf32, #tpu.memory_space<vmem>>
        %dma_start3A_577 = arith.constant 0 : i32
        %dma_start3A_578 = tpu.memref_slice %arg4[%select_n3A, %add3A_364, %dma_start3A_577] : memref<4x8192x1024xf32, #tpu.memory_space<hbm>> -> memref<1x8x1024xf32, #tpu.memory_space<hbm>>
        %dma_start3A_579 = tpu.memref_squeeze %dma_start3A_578 : memref<1x8x1024xf32, #tpu.memory_space<hbm>> -> memref<8x1024xf32, #tpu.memory_space<hbm>>
        %dma_start3A_580 = arith.constant 0 : i32
        %dma_start3A_581 = tpu.memref_slice %arg4[%select_n3A, %add3A_364, %dma_start3A_580] : memref<4x8192x1024xf32, #tpu.memory_space<hbm>> -> memref<1x8x1024xf32, #tpu.memory_space<hbm>>
        %dma_start3A_582 = tpu.memref_squeeze %dma_start3A_581 : memref<1x8x1024xf32, #tpu.memory_space<hbm>> -> memref<8x1024xf32, #tpu.memory_space<hbm>>
        %dma_start3A_583 = arith.constant 0 : i32
        %dma_start3A_584 = arith.constant 0 : i32
        %dma_start3A_585 = tpu.memref_slice %arg6[%run_scoped3A_365, %dma_start3A_583, %dma_start3A_584] : memref<8x8x1024xf32, #tpu.memory_space<vmem>> -> memref<1x8x1024xf32, #tpu.memory_space<vmem>>
        %dma_start3A_586 = tpu.memref_squeeze %dma_start3A_585 : memref<1x8x1024xf32, #tpu.memory_space<vmem>> -> memref<8x1024xf32, #tpu.memory_space<vmem>>
        tpu.enqueue_dma source(%dma_start3A_586 : memref<8x1024xf32, #tpu.memory_space<vmem>>) target(%dma_start3A_582 : memref<8x1024xf32, #tpu.memory_space<hbm>>) target_semaphore(%run_scoped3A_572 : memref<!tpu.dma_semaphore, #tpu.memory_space<semaphore_mem>>)
        %dma_wait3A_587 = arith.constant 0 : i32
        %dma_wait3A_588 = arith.constant 0 : i32
        %dma_wait3A_589 = tpu.memref_slice %arg6[%run_scoped3A_365, %dma_wait3A_587, %dma_wait3A_588] : memref<8x8x1024xf32, #tpu.memory_space<vmem>> -> memref<1x8x1024xf32, #tpu.memory_space<vmem>>
        %dma_wait3A_590 = tpu.memref_squeeze %dma_wait3A_589 : memref<1x8x1024xf32, #tpu.memory_space<vmem>> -> memref<8x1024xf32, #tpu.memory_space<vmem>>
        %dma_wait3A_591 = arith.constant 0 : i32
        %dma_wait3A_592 = tpu.memref_slice %arg4[%select_n3A, %add3A_364, %dma_wait3A_591] : memref<4x8192x1024xf32, #tpu.memory_space<hbm>> -> memref<1x8x1024xf32, #tpu.memory_space<hbm>>
        %dma_wait3A_593 = tpu.memref_squeeze %dma_wait3A_592 : memref<1x8x1024xf32, #tpu.memory_space<hbm>> -> memref<8x1024xf32, #tpu.memory_space<hbm>>
        %dma_wait3A_594 = arith.constant 0 : i32
        %dma_wait3A_595 = tpu.memref_slice %arg4[%select_n3A, %add3A_364, %dma_wait3A_594] : memref<4x8192x1024xf32, #tpu.memory_space<hbm>> -> memref<1x8x1024xf32, #tpu.memory_space<hbm>>
        %dma_wait3A_596 = tpu.memref_squeeze %dma_wait3A_595 : memref<1x8x1024xf32, #tpu.memory_space<hbm>> -> memref<8x1024xf32, #tpu.memory_space<hbm>>
        %dma_wait3A_597 = arith.constant 0 : i32
        %dma_wait3A_598 = arith.constant 0 : i32
        %dma_wait3A_599 = tpu.memref_slice %arg6[%run_scoped3A_365, %dma_wait3A_597, %dma_wait3A_598] : memref<8x8x1024xf32, #tpu.memory_space<vmem>> -> memref<1x8x1024xf32, #tpu.memory_space<vmem>>
        %dma_wait3A_600 = tpu.memref_squeeze %dma_wait3A_599 : memref<1x8x1024xf32, #tpu.memory_space<vmem>> -> memref<8x1024xf32, #tpu.memory_space<vmem>>
        tpu.wait_dma2 semaphore(%run_scoped3A_572 : memref<!tpu.dma_semaphore, #tpu.memory_space<semaphore_mem>>) src(%dma_wait3A_600 : memref<8x1024xf32, #tpu.memory_space<vmem>>) dst(%dma_wait3A_596 : memref<8x1024xf32, #tpu.memory_space<hbm>>)
        tpu.yield
      }) : () -> ()
      %add3A_366 = arith.constant 8 : i32
      %add3A_367 = arith.addi %add3A_347, %add3A_366 : i32
      %mul3A_368 = arith.constant 8 : i32
      %mul3A_369 = arith.muli %add3A_367, %mul3A_368 : i32
      %dma_start3A_370 = arith.constant 2 : i32
      %dma_start3A_371 = arith.constant 2 : i32
      %dma_start3A_372 = arith.constant 0 : i32
      %dma_start3A_373 = arith.constant 0 : i32
      %dma_start3A_374 = tpu.memref_slice %arg6[%dma_start3A_370, %dma_start3A_372, %dma_start3A_373] : memref<8x8x1024xf32, #tpu.memory_space<vmem>> -> memref<1x8x1024xf32, #tpu.memory_space<vmem>>
      %dma_start3A_375 = tpu.memref_squeeze %dma_start3A_374 : memref<1x8x1024xf32, #tpu.memory_space<vmem>> -> memref<8x1024xf32, #tpu.memory_space<vmem>>
      %dma_start3A_376 = tpu.memref_slice %arg5[%mul3A_369] : memref<1024xi32, #tpu.memory_space<vmem>> -> memref<8xi32, #tpu.memory_space<vmem>>
      %dma_start3A_377 = arith.constant 0 : i32
      %dma_start3A_378 = arith.constant 0 : i32
      %dma_start3A_379 = tpu.memref_slice %arg2[%dma_start3A_377, %dma_start3A_378] : memref<100000x1024xf32, #tpu.memory_space<hbm>> -> memref<100000x1024xf32, #tpu.memory_space<hbm>>
      %dma_start3A_380 = tpu.memref_slice %arg7[%dma_start3A_371] : memref<8x!tpu.dma_semaphore, #tpu.memory_space<semaphore_mem>> -> memref<1x!tpu.dma_semaphore, #tpu.memory_space<semaphore_mem>>
      %dma_start3A_381 = tpu.memref_squeeze %dma_start3A_380 : memref<1x!tpu.dma_semaphore, #tpu.memory_space<semaphore_mem>> -> memref<!tpu.dma_semaphore, #tpu.memory_space<semaphore_mem>>
      tpu.enqueue_indirect_dma source(%dma_start3A_379 : memref<100000x1024xf32, #tpu.memory_space<hbm>>) target(%dma_start3A_375 : memref<8x1024xf32, #tpu.memory_space<vmem>>) offsets(%dma_start3A_376 : memref<8xi32, #tpu.memory_space<vmem>>) semaphore(%dma_start3A_381 : memref<!tpu.dma_semaphore, #tpu.memory_space<semaphore_mem>>)
      %mul3A_382 = arith.constant 8 : i32
      %mul3A_383 = arith.muli %scan3A_267, %mul3A_382 : i32
      %add3A_384 = arith.constant 3 : i32
      %add3A_385 = arith.addi %mul3A_383, %add3A_384 : i32
      %mul3A_386 = arith.constant 8 : i32
      %mul3A_387 = arith.muli %add3A_385, %mul3A_386 : i32
      %dma_wait3A_388 = arith.constant 3 : i32
      %dma_wait3A_389 = arith.constant 3 : i32
      %dma_wait3A_390 = arith.constant 0 : i32
      %dma_wait3A_391 = arith.constant 0 : i32
      %dma_wait3A_392 = tpu.memref_slice %arg6[%dma_wait3A_388, %dma_wait3A_390, %dma_wait3A_391] : memref<8x8x1024xf32, #tpu.memory_space<vmem>> -> memref<1x8x1024xf32, #tpu.memory_space<vmem>>
      %dma_wait3A_393 = tpu.memref_squeeze %dma_wait3A_392 : memref<1x8x1024xf32, #tpu.memory_space<vmem>> -> memref<8x1024xf32, #tpu.memory_space<vmem>>
      %dma_wait3A_394 = tpu.memref_slice %arg5[%mul3A_387] : memref<1024xi32, #tpu.memory_space<vmem>> -> memref<8xi32, #tpu.memory_space<vmem>>
      %dma_wait3A_395 = arith.constant 0 : i32
      %dma_wait3A_396 = arith.constant 0 : i32
      %dma_wait3A_397 = tpu.memref_slice %arg2[%dma_wait3A_395, %dma_wait3A_396] : memref<100000x1024xf32, #tpu.memory_space<hbm>> -> memref<100000x1024xf32, #tpu.memory_space<hbm>>
      %dma_wait3A_398 = tpu.memref_slice %arg7[%dma_wait3A_389] : memref<8x!tpu.dma_semaphore, #tpu.memory_space<semaphore_mem>> -> memref<1x!tpu.dma_semaphore, #tpu.memory_space<semaphore_mem>>
      %dma_wait3A_399 = tpu.memref_squeeze %dma_wait3A_398 : memref<1x!tpu.dma_semaphore, #tpu.memory_space<semaphore_mem>> -> memref<!tpu.dma_semaphore, #tpu.memory_space<semaphore_mem>>
      tpu.wait_indirect_dma semaphore(%dma_wait3A_399 : memref<!tpu.dma_semaphore, #tpu.memory_space<semaphore_mem>>) src(%dma_wait3A_397 : memref<100000x1024xf32, #tpu.memory_space<hbm>>) dst(%dma_wait3A_393 : memref<8x1024xf32, #tpu.memory_space<vmem>>)
      %mul3A_400 = arith.constant 8 : i32
      %mul3A_401 = arith.muli %add3A_385, %mul3A_400 : i32
      %add3A_402 = arith.addi %mul3A_32, %mul3A_401 : i32
      %run_scoped3A_403 = arith.constant 3 : i32
      "tpu.region"() ({
        %run_scoped3A_572 = tpu.sem_alloc : memref<!tpu.dma_semaphore, #tpu.memory_space<semaphore_mem>>
        %dma_start3A_573 = arith.constant 0 : i32
        %dma_start3A_574 = arith.constant 0 : i32
        %dma_start3A_575 = tpu.memref_slice %arg6[%run_scoped3A_403, %dma_start3A_573, %dma_start3A_574] : memref<8x8x1024xf32, #tpu.memory_space<vmem>> -> memref<1x8x1024xf32, #tpu.memory_space<vmem>>
        %dma_start3A_576 = tpu.memref_squeeze %dma_start3A_575 : memref<1x8x1024xf32, #tpu.memory_space<vmem>> -> memref<8x1024xf32, #tpu.memory_space<vmem>>
        %dma_start3A_577 = arith.constant 0 : i32
        %dma_start3A_578 = tpu.memref_slice %arg4[%select_n3A, %add3A_402, %dma_start3A_577] : memref<4x8192x1024xf32, #tpu.memory_space<hbm>> -> memref<1x8x1024xf32, #tpu.memory_space<hbm>>
        %dma_start3A_579 = tpu.memref_squeeze %dma_start3A_578 : memref<1x8x1024xf32, #tpu.memory_space<hbm>> -> memref<8x1024xf32, #tpu.memory_space<hbm>>
        %dma_start3A_580 = arith.constant 0 : i32
        %dma_start3A_581 = tpu.memref_slice %arg4[%select_n3A, %add3A_402, %dma_start3A_580] : memref<4x8192x1024xf32, #tpu.memory_space<hbm>> -> memref<1x8x1024xf32, #tpu.memory_space<hbm>>
        %dma_start3A_582 = tpu.memref_squeeze %dma_start3A_581 : memref<1x8x1024xf32, #tpu.memory_space<hbm>> -> memref<8x1024xf32, #tpu.memory_space<hbm>>
        %dma_start3A_583 = arith.constant 0 : i32
        %dma_start3A_584 = arith.constant 0 : i32
        %dma_start3A_585 = tpu.memref_slice %arg6[%run_scoped3A_403, %dma_start3A_583, %dma_start3A_584] : memref<8x8x1024xf32, #tpu.memory_space<vmem>> -> memref<1x8x1024xf32, #tpu.memory_space<vmem>>
        %dma_start3A_586 = tpu.memref_squeeze %dma_start3A_585 : memref<1x8x1024xf32, #tpu.memory_space<vmem>> -> memref<8x1024xf32, #tpu.memory_space<vmem>>
        tpu.enqueue_dma source(%dma_start3A_586 : memref<8x1024xf32, #tpu.memory_space<vmem>>) target(%dma_start3A_582 : memref<8x1024xf32, #tpu.memory_space<hbm>>) target_semaphore(%run_scoped3A_572 : memref<!tpu.dma_semaphore, #tpu.memory_space<semaphore_mem>>)
        %dma_wait3A_587 = arith.constant 0 : i32
        %dma_wait3A_588 = arith.constant 0 : i32
        %dma_wait3A_589 = tpu.memref_slice %arg6[%run_scoped3A_403, %dma_wait3A_587, %dma_wait3A_588] : memref<8x8x1024xf32, #tpu.memory_space<vmem>> -> memref<1x8x1024xf32, #tpu.memory_space<vmem>>
        %dma_wait3A_590 = tpu.memref_squeeze %dma_wait3A_589 : memref<1x8x1024xf32, #tpu.memory_space<vmem>> -> memref<8x1024xf32, #tpu.memory_space<vmem>>
        %dma_wait3A_591 = arith.constant 0 : i32
        %dma_wait3A_592 = tpu.memref_slice %arg4[%select_n3A, %add3A_402, %dma_wait3A_591] : memref<4x8192x1024xf32, #tpu.memory_space<hbm>> -> memref<1x8x1024xf32, #tpu.memory_space<hbm>>
        %dma_wait3A_593 = tpu.memref_squeeze %dma_wait3A_592 : memref<1x8x1024xf32, #tpu.memory_space<hbm>> -> memref<8x1024xf32, #tpu.memory_space<hbm>>
        %dma_wait3A_594 = arith.constant 0 : i32
        %dma_wait3A_595 = tpu.memref_slice %arg4[%select_n3A, %add3A_402, %dma_wait3A_594] : memref<4x8192x1024xf32, #tpu.memory_space<hbm>> -> memref<1x8x1024xf32, #tpu.memory_space<hbm>>
        %dma_wait3A_596 = tpu.memref_squeeze %dma_wait3A_595 : memref<1x8x1024xf32, #tpu.memory_space<hbm>> -> memref<8x1024xf32, #tpu.memory_space<hbm>>
        %dma_wait3A_597 = arith.constant 0 : i32
        %dma_wait3A_598 = arith.constant 0 : i32
        %dma_wait3A_599 = tpu.memref_slice %arg6[%run_scoped3A_403, %dma_wait3A_597, %dma_wait3A_598] : memref<8x8x1024xf32, #tpu.memory_space<vmem>> -> memref<1x8x1024xf32, #tpu.memory_space<vmem>>
        %dma_wait3A_600 = tpu.memref_squeeze %dma_wait3A_599 : memref<1x8x1024xf32, #tpu.memory_space<vmem>> -> memref<8x1024xf32, #tpu.memory_space<vmem>>
        tpu.wait_dma2 semaphore(%run_scoped3A_572 : memref<!tpu.dma_semaphore, #tpu.memory_space<semaphore_mem>>) src(%dma_wait3A_600 : memref<8x1024xf32, #tpu.memory_space<vmem>>) dst(%dma_wait3A_596 : memref<8x1024xf32, #tpu.memory_space<hbm>>)
        tpu.yield
      }) : () -> ()
      %add3A_404 = arith.constant 8 : i32
      %add3A_405 = arith.addi %add3A_385, %add3A_404 : i32
      %mul3A_406 = arith.constant 8 : i32
      %mul3A_407 = arith.muli %add3A_405, %mul3A_406 : i32
      %dma_start3A_408 = arith.constant 3 : i32
      %dma_start3A_409 = arith.constant 3 : i32
      %dma_start3A_410 = arith.constant 0 : i32
      %dma_start3A_411 = arith.constant 0 : i32
      %dma_start3A_412 = tpu.memref_slice %arg6[%dma_start3A_408, %dma_start3A_410, %dma_start3A_411] : memref<8x8x1024xf32, #tpu.memory_space<vmem>> -> memref<1x8x1024xf32, #tpu.memory_space<vmem>>
      %dma_start3A_413 = tpu.memref_squeeze %dma_start3A_412 : memref<1x8x1024xf32, #tpu.memory_space<vmem>> -> memref<8x1024xf32, #tpu.memory_space<vmem>>
      %dma_start3A_414 = tpu.memref_slice %arg5[%mul3A_407] : memref<1024xi32, #tpu.memory_space<vmem>> -> memref<8xi32, #tpu.memory_space<vmem>>
      %dma_start3A_415 = arith.constant 0 : i32
      %dma_start3A_416 = arith.constant 0 : i32
      %dma_start3A_417 = tpu.memref_slice %arg2[%dma_start3A_415, %dma_start3A_416] : memref<100000x1024xf32, #tpu.memory_space<hbm>> -> memref<100000x1024xf32, #tpu.memory_space<hbm>>
      %dma_start3A_418 = tpu.memref_slice %arg7[%dma_start3A_409] : memref<8x!tpu.dma_semaphore, #tpu.memory_space<semaphore_mem>> -> memref<1x!tpu.dma_semaphore, #tpu.memory_space<semaphore_mem>>
      %dma_start3A_419 = tpu.memref_squeeze %dma_start3A_418 : memref<1x!tpu.dma_semaphore, #tpu.memory_space<semaphore_mem>> -> memref<!tpu.dma_semaphore, #tpu.memory_space<semaphore_mem>>
      tpu.enqueue_indirect_dma source(%dma_start3A_417 : memref<100000x1024xf32, #tpu.memory_space<hbm>>) target(%dma_start3A_413 : memref<8x1024xf32, #tpu.memory_space<vmem>>) offsets(%dma_start3A_414 : memref<8xi32, #tpu.memory_space<vmem>>) semaphore(%dma_start3A_419 : memref<!tpu.dma_semaphore, #tpu.memory_space<semaphore_mem>>)
      %mul3A_420 = arith.constant 8 : i32
      %mul3A_421 = arith.muli %scan3A_267, %mul3A_420 : i32
      %add3A_422 = arith.constant 4 : i32
      %add3A_423 = arith.addi %mul3A_421, %add3A_422 : i32
      %mul3A_424 = arith.constant 8 : i32
      %mul3A_425 = arith.muli %add3A_423, %mul3A_424 : i32
      %dma_wait3A_426 = arith.constant 4 : i32
      %dma_wait3A_427 = arith.constant 4 : i32
      %dma_wait3A_428 = arith.constant 0 : i32
      %dma_wait3A_429 = arith.constant 0 : i32
      %dma_wait3A_430 = tpu.memref_slice %arg6[%dma_wait3A_426, %dma_wait3A_428, %dma_wait3A_429] : memref<8x8x1024xf32, #tpu.memory_space<vmem>> -> memref<1x8x1024xf32, #tpu.memory_space<vmem>>
      %dma_wait3A_431 = tpu.memref_squeeze %dma_wait3A_430 : memref<1x8x1024xf32, #tpu.memory_space<vmem>> -> memref<8x1024xf32, #tpu.memory_space<vmem>>
      %dma_wait3A_432 = tpu.memref_slice %arg5[%mul3A_425] : memref<1024xi32, #tpu.memory_space<vmem>> -> memref<8xi32, #tpu.memory_space<vmem>>
      %dma_wait3A_433 = arith.constant 0 : i32
      %dma_wait3A_434 = arith.constant 0 : i32
      %dma_wait3A_435 = tpu.memref_slice %arg2[%dma_wait3A_433, %dma_wait3A_434] : memref<100000x1024xf32, #tpu.memory_space<hbm>> -> memref<100000x1024xf32, #tpu.memory_space<hbm>>
      %dma_wait3A_436 = tpu.memref_slice %arg7[%dma_wait3A_427] : memref<8x!tpu.dma_semaphore, #tpu.memory_space<semaphore_mem>> -> memref<1x!tpu.dma_semaphore, #tpu.memory_space<semaphore_mem>>
      %dma_wait3A_437 = tpu.memref_squeeze %dma_wait3A_436 : memref<1x!tpu.dma_semaphore, #tpu.memory_space<semaphore_mem>> -> memref<!tpu.dma_semaphore, #tpu.memory_space<semaphore_mem>>
      tpu.wait_indirect_dma semaphore(%dma_wait3A_437 : memref<!tpu.dma_semaphore, #tpu.memory_space<semaphore_mem>>) src(%dma_wait3A_435 : memref<100000x1024xf32, #tpu.memory_space<hbm>>) dst(%dma_wait3A_431 : memref<8x1024xf32, #tpu.memory_space<vmem>>)
      %mul3A_438 = arith.constant 8 : i32
      %mul3A_439 = arith.muli %add3A_423, %mul3A_438 : i32
      %add3A_440 = arith.addi %mul3A_32, %mul3A_439 : i32
      %run_scoped3A_441 = arith.constant 4 : i32
      "tpu.region"() ({
        %run_scoped3A_572 = tpu.sem_alloc : memref<!tpu.dma_semaphore, #tpu.memory_space<semaphore_mem>>
        %dma_start3A_573 = arith.constant 0 : i32
        %dma_start3A_574 = arith.constant 0 : i32
        %dma_start3A_575 = tpu.memref_slice %arg6[%run_scoped3A_441, %dma_start3A_573, %dma_start3A_574] : memref<8x8x1024xf32, #tpu.memory_space<vmem>> -> memref<1x8x1024xf32, #tpu.memory_space<vmem>>
        %dma_start3A_576 = tpu.memref_squeeze %dma_start3A_575 : memref<1x8x1024xf32, #tpu.memory_space<vmem>> -> memref<8x1024xf32, #tpu.memory_space<vmem>>
        %dma_start3A_577 = arith.constant 0 : i32
        %dma_start3A_578 = tpu.memref_slice %arg4[%select_n3A, %add3A_440, %dma_start3A_577] : memref<4x8192x1024xf32, #tpu.memory_space<hbm>> -> memref<1x8x1024xf32, #tpu.memory_space<hbm>>
        %dma_start3A_579 = tpu.memref_squeeze %dma_start3A_578 : memref<1x8x1024xf32, #tpu.memory_space<hbm>> -> memref<8x1024xf32, #tpu.memory_space<hbm>>
        %dma_start3A_580 = arith.constant 0 : i32
        %dma_start3A_581 = tpu.memref_slice %arg4[%select_n3A, %add3A_440, %dma_start3A_580] : memref<4x8192x1024xf32, #tpu.memory_space<hbm>> -> memref<1x8x1024xf32, #tpu.memory_space<hbm>>
        %dma_start3A_582 = tpu.memref_squeeze %dma_start3A_581 : memref<1x8x1024xf32, #tpu.memory_space<hbm>> -> memref<8x1024xf32, #tpu.memory_space<hbm>>
        %dma_start3A_583 = arith.constant 0 : i32
        %dma_start3A_584 = arith.constant 0 : i32
        %dma_start3A_585 = tpu.memref_slice %arg6[%run_scoped3A_441, %dma_start3A_583, %dma_start3A_584] : memref<8x8x1024xf32, #tpu.memory_space<vmem>> -> memref<1x8x1024xf32, #tpu.memory_space<vmem>>
        %dma_start3A_586 = tpu.memref_squeeze %dma_start3A_585 : memref<1x8x1024xf32, #tpu.memory_space<vmem>> -> memref<8x1024xf32, #tpu.memory_space<vmem>>
        tpu.enqueue_dma source(%dma_start3A_586 : memref<8x1024xf32, #tpu.memory_space<vmem>>) target(%dma_start3A_582 : memref<8x1024xf32, #tpu.memory_space<hbm>>) target_semaphore(%run_scoped3A_572 : memref<!tpu.dma_semaphore, #tpu.memory_space<semaphore_mem>>)
        %dma_wait3A_587 = arith.constant 0 : i32
        %dma_wait3A_588 = arith.constant 0 : i32
        %dma_wait3A_589 = tpu.memref_slice %arg6[%run_scoped3A_441, %dma_wait3A_587, %dma_wait3A_588] : memref<8x8x1024xf32, #tpu.memory_space<vmem>> -> memref<1x8x1024xf32, #tpu.memory_space<vmem>>
        %dma_wait3A_590 = tpu.memref_squeeze %dma_wait3A_589 : memref<1x8x1024xf32, #tpu.memory_space<vmem>> -> memref<8x1024xf32, #tpu.memory_space<vmem>>
        %dma_wait3A_591 = arith.constant 0 : i32
        %dma_wait3A_592 = tpu.memref_slice %arg4[%select_n3A, %add3A_440, %dma_wait3A_591] : memref<4x8192x1024xf32, #tpu.memory_space<hbm>> -> memref<1x8x1024xf32, #tpu.memory_space<hbm>>
        %dma_wait3A_593 = tpu.memref_squeeze %dma_wait3A_592 : memref<1x8x1024xf32, #tpu.memory_space<hbm>> -> memref<8x1024xf32, #tpu.memory_space<hbm>>
        %dma_wait3A_594 = arith.constant 0 : i32
        %dma_wait3A_595 = tpu.memref_slice %arg4[%select_n3A, %add3A_440, %dma_wait3A_594] : memref<4x8192x1024xf32, #tpu.memory_space<hbm>> -> memref<1x8x1024xf32, #tpu.memory_space<hbm>>
        %dma_wait3A_596 = tpu.memref_squeeze %dma_wait3A_595 : memref<1x8x1024xf32, #tpu.memory_space<hbm>> -> memref<8x1024xf32, #tpu.memory_space<hbm>>
        %dma_wait3A_597 = arith.constant 0 : i32
        %dma_wait3A_598 = arith.constant 0 : i32
        %dma_wait3A_599 = tpu.memref_slice %arg6[%run_scoped3A_441, %dma_wait3A_597, %dma_wait3A_598] : memref<8x8x1024xf32, #tpu.memory_space<vmem>> -> memref<1x8x1024xf32, #tpu.memory_space<vmem>>
        %dma_wait3A_600 = tpu.memref_squeeze %dma_wait3A_599 : memref<1x8x1024xf32, #tpu.memory_space<vmem>> -> memref<8x1024xf32, #tpu.memory_space<vmem>>
        tpu.wait_dma2 semaphore(%run_scoped3A_572 : memref<!tpu.dma_semaphore, #tpu.memory_space<semaphore_mem>>) src(%dma_wait3A_600 : memref<8x1024xf32, #tpu.memory_space<vmem>>) dst(%dma_wait3A_596 : memref<8x1024xf32, #tpu.memory_space<hbm>>)
        tpu.yield
      }) : () -> ()
      %add3A_442 = arith.constant 8 : i32
      %add3A_443 = arith.addi %add3A_423, %add3A_442 : i32
      %mul3A_444 = arith.constant 8 : i32
      %mul3A_445 = arith.muli %add3A_443, %mul3A_444 : i32
      %dma_start3A_446 = arith.constant 4 : i32
      %dma_start3A_447 = arith.constant 4 : i32
      %dma_start3A_448 = arith.constant 0 : i32
      %dma_start3A_449 = arith.constant 0 : i32
      %dma_start3A_450 = tpu.memref_slice %arg6[%dma_start3A_446, %dma_start3A_448, %dma_start3A_449] : memref<8x8x1024xf32, #tpu.memory_space<vmem>> -> memref<1x8x1024xf32, #tpu.memory_space<vmem>>
      %dma_start3A_451 = tpu.memref_squeeze %dma_start3A_450 : memref<1x8x1024xf32, #tpu.memory_space<vmem>> -> memref<8x1024xf32, #tpu.memory_space<vmem>>
      %dma_start3A_452 = tpu.memref_slice %arg5[%mul3A_445] : memref<1024xi32, #tpu.memory_space<vmem>> -> memref<8xi32, #tpu.memory_space<vmem>>
      %dma_start3A_453 = arith.constant 0 : i32
      %dma_start3A_454 = arith.constant 0 : i32
      %dma_start3A_455 = tpu.memref_slice %arg2[%dma_start3A_453, %dma_start3A_454] : memref<100000x1024xf32, #tpu.memory_space<hbm>> -> memref<100000x1024xf32, #tpu.memory_space<hbm>>
      %dma_start3A_456 = tpu.memref_slice %arg7[%dma_start3A_447] : memref<8x!tpu.dma_semaphore, #tpu.memory_space<semaphore_mem>> -> memref<1x!tpu.dma_semaphore, #tpu.memory_space<semaphore_mem>>
      %dma_start3A_457 = tpu.memref_squeeze %dma_start3A_456 : memref<1x!tpu.dma_semaphore, #tpu.memory_space<semaphore_mem>> -> memref<!tpu.dma_semaphore, #tpu.memory_space<semaphore_mem>>
      tpu.enqueue_indirect_dma source(%dma_start3A_455 : memref<100000x1024xf32, #tpu.memory_space<hbm>>) target(%dma_start3A_451 : memref<8x1024xf32, #tpu.memory_space<vmem>>) offsets(%dma_start3A_452 : memref<8xi32, #tpu.memory_space<vmem>>) semaphore(%dma_start3A_457 : memref<!tpu.dma_semaphore, #tpu.memory_space<semaphore_mem>>)
      %mul3A_458 = arith.constant 8 : i32
      %mul3A_459 = arith.muli %scan3A_267, %mul3A_458 : i32
      %add3A_460 = arith.constant 5 : i32
      %add3A_461 = arith.addi %mul3A_459, %add3A_460 : i32
      %mul3A_462 = arith.constant 8 : i32
      %mul3A_463 = arith.muli %add3A_461, %mul3A_462 : i32
      %dma_wait3A_464 = arith.constant 5 : i32
      %dma_wait3A_465 = arith.constant 5 : i32
      %dma_wait3A_466 = arith.constant 0 : i32
      %dma_wait3A_467 = arith.constant 0 : i32
      %dma_wait3A_468 = tpu.memref_slice %arg6[%dma_wait3A_464, %dma_wait3A_466, %dma_wait3A_467] : memref<8x8x1024xf32, #tpu.memory_space<vmem>> -> memref<1x8x1024xf32, #tpu.memory_space<vmem>>
      %dma_wait3A_469 = tpu.memref_squeeze %dma_wait3A_468 : memref<1x8x1024xf32, #tpu.memory_space<vmem>> -> memref<8x1024xf32, #tpu.memory_space<vmem>>
      %dma_wait3A_470 = tpu.memref_slice %arg5[%mul3A_463] : memref<1024xi32, #tpu.memory_space<vmem>> -> memref<8xi32, #tpu.memory_space<vmem>>
      %dma_wait3A_471 = arith.constant 0 : i32
      %dma_wait3A_472 = arith.constant 0 : i32
      %dma_wait3A_473 = tpu.memref_slice %arg2[%dma_wait3A_471, %dma_wait3A_472] : memref<100000x1024xf32, #tpu.memory_space<hbm>> -> memref<100000x1024xf32, #tpu.memory_space<hbm>>
      %dma_wait3A_474 = tpu.memref_slice %arg7[%dma_wait3A_465] : memref<8x!tpu.dma_semaphore, #tpu.memory_space<semaphore_mem>> -> memref<1x!tpu.dma_semaphore, #tpu.memory_space<semaphore_mem>>
      %dma_wait3A_475 = tpu.memref_squeeze %dma_wait3A_474 : memref<1x!tpu.dma_semaphore, #tpu.memory_space<semaphore_mem>> -> memref<!tpu.dma_semaphore, #tpu.memory_space<semaphore_mem>>
      tpu.wait_indirect_dma semaphore(%dma_wait3A_475 : memref<!tpu.dma_semaphore, #tpu.memory_space<semaphore_mem>>) src(%dma_wait3A_473 : memref<100000x1024xf32, #tpu.memory_space<hbm>>) dst(%dma_wait3A_469 : memref<8x1024xf32, #tpu.memory_space<vmem>>)
      %mul3A_476 = arith.constant 8 : i32
      %mul3A_477 = arith.muli %add3A_461, %mul3A_476 : i32
      %add3A_478 = arith.addi %mul3A_32, %mul3A_477 : i32
      %run_scoped3A_479 = arith.constant 5 : i32
      "tpu.region"() ({
        %run_scoped3A_572 = tpu.sem_alloc : memref<!tpu.dma_semaphore, #tpu.memory_space<semaphore_mem>>
        %dma_start3A_573 = arith.constant 0 : i32
        %dma_start3A_574 = arith.constant 0 : i32
        %dma_start3A_575 = tpu.memref_slice %arg6[%run_scoped3A_479, %dma_start3A_573, %dma_start3A_574] : memref<8x8x1024xf32, #tpu.memory_space<vmem>> -> memref<1x8x1024xf32, #tpu.memory_space<vmem>>
        %dma_start3A_576 = tpu.memref_squeeze %dma_start3A_575 : memref<1x8x1024xf32, #tpu.memory_space<vmem>> -> memref<8x1024xf32, #tpu.memory_space<vmem>>
        %dma_start3A_577 = arith.constant 0 : i32
        %dma_start3A_578 = tpu.memref_slice %arg4[%select_n3A, %add3A_478, %dma_start3A_577] : memref<4x8192x1024xf32, #tpu.memory_space<hbm>> -> memref<1x8x1024xf32, #tpu.memory_space<hbm>>
        %dma_start3A_579 = tpu.memref_squeeze %dma_start3A_578 : memref<1x8x1024xf32, #tpu.memory_space<hbm>> -> memref<8x1024xf32, #tpu.memory_space<hbm>>
        %dma_start3A_580 = arith.constant 0 : i32
        %dma_start3A_581 = tpu.memref_slice %arg4[%select_n3A, %add3A_478, %dma_start3A_580] : memref<4x8192x1024xf32, #tpu.memory_space<hbm>> -> memref<1x8x1024xf32, #tpu.memory_space<hbm>>
        %dma_start3A_582 = tpu.memref_squeeze %dma_start3A_581 : memref<1x8x1024xf32, #tpu.memory_space<hbm>> -> memref<8x1024xf32, #tpu.memory_space<hbm>>
        %dma_start3A_583 = arith.constant 0 : i32
        %dma_start3A_584 = arith.constant 0 : i32
        %dma_start3A_585 = tpu.memref_slice %arg6[%run_scoped3A_479, %dma_start3A_583, %dma_start3A_584] : memref<8x8x1024xf32, #tpu.memory_space<vmem>> -> memref<1x8x1024xf32, #tpu.memory_space<vmem>>
        %dma_start3A_586 = tpu.memref_squeeze %dma_start3A_585 : memref<1x8x1024xf32, #tpu.memory_space<vmem>> -> memref<8x1024xf32, #tpu.memory_space<vmem>>
        tpu.enqueue_dma source(%dma_start3A_586 : memref<8x1024xf32, #tpu.memory_space<vmem>>) target(%dma_start3A_582 : memref<8x1024xf32, #tpu.memory_space<hbm>>) target_semaphore(%run_scoped3A_572 : memref<!tpu.dma_semaphore, #tpu.memory_space<semaphore_mem>>)
        %dma_wait3A_587 = arith.constant 0 : i32
        %dma_wait3A_588 = arith.constant 0 : i32
        %dma_wait3A_589 = tpu.memref_slice %arg6[%run_scoped3A_479, %dma_wait3A_587, %dma_wait3A_588] : memref<8x8x1024xf32, #tpu.memory_space<vmem>> -> memref<1x8x1024xf32, #tpu.memory_space<vmem>>
        %dma_wait3A_590 = tpu.memref_squeeze %dma_wait3A_589 : memref<1x8x1024xf32, #tpu.memory_space<vmem>> -> memref<8x1024xf32, #tpu.memory_space<vmem>>
        %dma_wait3A_591 = arith.constant 0 : i32
        %dma_wait3A_592 = tpu.memref_slice %arg4[%select_n3A, %add3A_478, %dma_wait3A_591] : memref<4x8192x1024xf32, #tpu.memory_space<hbm>> -> memref<1x8x1024xf32, #tpu.memory_space<hbm>>
        %dma_wait3A_593 = tpu.memref_squeeze %dma_wait3A_592 : memref<1x8x1024xf32, #tpu.memory_space<hbm>> -> memref<8x1024xf32, #tpu.memory_space<hbm>>
        %dma_wait3A_594 = arith.constant 0 : i32
        %dma_wait3A_595 = tpu.memref_slice %arg4[%select_n3A, %add3A_478, %dma_wait3A_594] : memref<4x8192x1024xf32, #tpu.memory_space<hbm>> -> memref<1x8x1024xf32, #tpu.memory_space<hbm>>
        %dma_wait3A_596 = tpu.memref_squeeze %dma_wait3A_595 : memref<1x8x1024xf32, #tpu.memory_space<hbm>> -> memref<8x1024xf32, #tpu.memory_space<hbm>>
        %dma_wait3A_597 = arith.constant 0 : i32
        %dma_wait3A_598 = arith.constant 0 : i32
        %dma_wait3A_599 = tpu.memref_slice %arg6[%run_scoped3A_479, %dma_wait3A_597, %dma_wait3A_598] : memref<8x8x1024xf32, #tpu.memory_space<vmem>> -> memref<1x8x1024xf32, #tpu.memory_space<vmem>>
        %dma_wait3A_600 = tpu.memref_squeeze %dma_wait3A_599 : memref<1x8x1024xf32, #tpu.memory_space<vmem>> -> memref<8x1024xf32, #tpu.memory_space<vmem>>
        tpu.wait_dma2 semaphore(%run_scoped3A_572 : memref<!tpu.dma_semaphore, #tpu.memory_space<semaphore_mem>>) src(%dma_wait3A_600 : memref<8x1024xf32, #tpu.memory_space<vmem>>) dst(%dma_wait3A_596 : memref<8x1024xf32, #tpu.memory_space<hbm>>)
        tpu.yield
      }) : () -> ()
      %add3A_480 = arith.constant 8 : i32
      %add3A_481 = arith.addi %add3A_461, %add3A_480 : i32
      %mul3A_482 = arith.constant 8 : i32
      %mul3A_483 = arith.muli %add3A_481, %mul3A_482 : i32
      %dma_start3A_484 = arith.constant 5 : i32
      %dma_start3A_485 = arith.constant 5 : i32
      %dma_start3A_486 = arith.constant 0 : i32
      %dma_start3A_487 = arith.constant 0 : i32
      %dma_start3A_488 = tpu.memref_slice %arg6[%dma_start3A_484, %dma_start3A_486, %dma_start3A_487] : memref<8x8x1024xf32, #tpu.memory_space<vmem>> -> memref<1x8x1024xf32, #tpu.memory_space<vmem>>
      %dma_start3A_489 = tpu.memref_squeeze %dma_start3A_488 : memref<1x8x1024xf32, #tpu.memory_space<vmem>> -> memref<8x1024xf32, #tpu.memory_space<vmem>>
      %dma_start3A_490 = tpu.memref_slice %arg5[%mul3A_483] : memref<1024xi32, #tpu.memory_space<vmem>> -> memref<8xi32, #tpu.memory_space<vmem>>
      %dma_start3A_491 = arith.constant 0 : i32
      %dma_start3A_492 = arith.constant 0 : i32
      %dma_start3A_493 = tpu.memref_slice %arg2[%dma_start3A_491, %dma_start3A_492] : memref<100000x1024xf32, #tpu.memory_space<hbm>> -> memref<100000x1024xf32, #tpu.memory_space<hbm>>
      %dma_start3A_494 = tpu.memref_slice %arg7[%dma_start3A_485] : memref<8x!tpu.dma_semaphore, #tpu.memory_space<semaphore_mem>> -> memref<1x!tpu.dma_semaphore, #tpu.memory_space<semaphore_mem>>
      %dma_start3A_495 = tpu.memref_squeeze %dma_start3A_494 : memref<1x!tpu.dma_semaphore, #tpu.memory_space<semaphore_mem>> -> memref<!tpu.dma_semaphore, #tpu.memory_space<semaphore_mem>>
      tpu.enqueue_indirect_dma source(%dma_start3A_493 : memref<100000x1024xf32, #tpu.memory_space<hbm>>) target(%dma_start3A_489 : memref<8x1024xf32, #tpu.memory_space<vmem>>) offsets(%dma_start3A_490 : memref<8xi32, #tpu.memory_space<vmem>>) semaphore(%dma_start3A_495 : memref<!tpu.dma_semaphore, #tpu.memory_space<semaphore_mem>>)
      %mul3A_496 = arith.constant 8 : i32
      %mul3A_497 = arith.muli %scan3A_267, %mul3A_496 : i32
      %add3A_498 = arith.constant 6 : i32
      %add3A_499 = arith.addi %mul3A_497, %add3A_498 : i32
      %mul3A_500 = arith.constant 8 : i32
      %mul3A_501 = arith.muli %add3A_499, %mul3A_500 : i32
      %dma_wait3A_502 = arith.constant 6 : i32
      %dma_wait3A_503 = arith.constant 6 : i32
      %dma_wait3A_504 = arith.constant 0 : i32
      %dma_wait3A_505 = arith.constant 0 : i32
      %dma_wait3A_506 = tpu.memref_slice %arg6[%dma_wait3A_502, %dma_wait3A_504, %dma_wait3A_505] : memref<8x8x1024xf32, #tpu.memory_space<vmem>> -> memref<1x8x1024xf32, #tpu.memory_space<vmem>>
      %dma_wait3A_507 = tpu.memref_squeeze %dma_wait3A_506 : memref<1x8x1024xf32, #tpu.memory_space<vmem>> -> memref<8x1024xf32, #tpu.memory_space<vmem>>
      %dma_wait3A_508 = tpu.memref_slice %arg5[%mul3A_501] : memref<1024xi32, #tpu.memory_space<vmem>> -> memref<8xi32, #tpu.memory_space<vmem>>
      %dma_wait3A_509 = arith.constant 0 : i32
      %dma_wait3A_510 = arith.constant 0 : i32
      %dma_wait3A_511 = tpu.memref_slice %arg2[%dma_wait3A_509, %dma_wait3A_510] : memref<100000x1024xf32, #tpu.memory_space<hbm>> -> memref<100000x1024xf32, #tpu.memory_space<hbm>>
      %dma_wait3A_512 = tpu.memref_slice %arg7[%dma_wait3A_503] : memref<8x!tpu.dma_semaphore, #tpu.memory_space<semaphore_mem>> -> memref<1x!tpu.dma_semaphore, #tpu.memory_space<semaphore_mem>>
      %dma_wait3A_513 = tpu.memref_squeeze %dma_wait3A_512 : memref<1x!tpu.dma_semaphore, #tpu.memory_space<semaphore_mem>> -> memref<!tpu.dma_semaphore, #tpu.memory_space<semaphore_mem>>
      tpu.wait_indirect_dma semaphore(%dma_wait3A_513 : memref<!tpu.dma_semaphore, #tpu.memory_space<semaphore_mem>>) src(%dma_wait3A_511 : memref<100000x1024xf32, #tpu.memory_space<hbm>>) dst(%dma_wait3A_507 : memref<8x1024xf32, #tpu.memory_space<vmem>>)
      %mul3A_514 = arith.constant 8 : i32
      %mul3A_515 = arith.muli %add3A_499, %mul3A_514 : i32
      %add3A_516 = arith.addi %mul3A_32, %mul3A_515 : i32
      %run_scoped3A_517 = arith.constant 6 : i32
      "tpu.region"() ({
        %run_scoped3A_572 = tpu.sem_alloc : memref<!tpu.dma_semaphore, #tpu.memory_space<semaphore_mem>>
        %dma_start3A_573 = arith.constant 0 : i32
        %dma_start3A_574 = arith.constant 0 : i32
        %dma_start3A_575 = tpu.memref_slice %arg6[%run_scoped3A_517, %dma_start3A_573, %dma_start3A_574] : memref<8x8x1024xf32, #tpu.memory_space<vmem>> -> memref<1x8x1024xf32, #tpu.memory_space<vmem>>
        %dma_start3A_576 = tpu.memref_squeeze %dma_start3A_575 : memref<1x8x1024xf32, #tpu.memory_space<vmem>> -> memref<8x1024xf32, #tpu.memory_space<vmem>>
        %dma_start3A_577 = arith.constant 0 : i32
        %dma_start3A_578 = tpu.memref_slice %arg4[%select_n3A, %add3A_516, %dma_start3A_577] : memref<4x8192x1024xf32, #tpu.memory_space<hbm>> -> memref<1x8x1024xf32, #tpu.memory_space<hbm>>
        %dma_start3A_579 = tpu.memref_squeeze %dma_start3A_578 : memref<1x8x1024xf32, #tpu.memory_space<hbm>> -> memref<8x1024xf32, #tpu.memory_space<hbm>>
        %dma_start3A_580 = arith.constant 0 : i32
        %dma_start3A_581 = tpu.memref_slice %arg4[%select_n3A, %add3A_516, %dma_start3A_580] : memref<4x8192x1024xf32, #tpu.memory_space<hbm>> -> memref<1x8x1024xf32, #tpu.memory_space<hbm>>
        %dma_start3A_582 = tpu.memref_squeeze %dma_start3A_581 : memref<1x8x1024xf32, #tpu.memory_space<hbm>> -> memref<8x1024xf32, #tpu.memory_space<hbm>>
        %dma_start3A_583 = arith.constant 0 : i32
        %dma_start3A_584 = arith.constant 0 : i32
        %dma_start3A_585 = tpu.memref_slice %arg6[%run_scoped3A_517, %dma_start3A_583, %dma_start3A_584] : memref<8x8x1024xf32, #tpu.memory_space<vmem>> -> memref<1x8x1024xf32, #tpu.memory_space<vmem>>
        %dma_start3A_586 = tpu.memref_squeeze %dma_start3A_585 : memref<1x8x1024xf32, #tpu.memory_space<vmem>> -> memref<8x1024xf32, #tpu.memory_space<vmem>>
        tpu.enqueue_dma source(%dma_start3A_586 : memref<8x1024xf32, #tpu.memory_space<vmem>>) target(%dma_start3A_582 : memref<8x1024xf32, #tpu.memory_space<hbm>>) target_semaphore(%run_scoped3A_572 : memref<!tpu.dma_semaphore, #tpu.memory_space<semaphore_mem>>)
        %dma_wait3A_587 = arith.constant 0 : i32
        %dma_wait3A_588 = arith.constant 0 : i32
        %dma_wait3A_589 = tpu.memref_slice %arg6[%run_scoped3A_517, %dma_wait3A_587, %dma_wait3A_588] : memref<8x8x1024xf32, #tpu.memory_space<vmem>> -> memref<1x8x1024xf32, #tpu.memory_space<vmem>>
        %dma_wait3A_590 = tpu.memref_squeeze %dma_wait3A_589 : memref<1x8x1024xf32, #tpu.memory_space<vmem>> -> memref<8x1024xf32, #tpu.memory_space<vmem>>
        %dma_wait3A_591 = arith.constant 0 : i32
        %dma_wait3A_592 = tpu.memref_slice %arg4[%select_n3A, %add3A_516, %dma_wait3A_591] : memref<4x8192x1024xf32, #tpu.memory_space<hbm>> -> memref<1x8x1024xf32, #tpu.memory_space<hbm>>
        %dma_wait3A_593 = tpu.memref_squeeze %dma_wait3A_592 : memref<1x8x1024xf32, #tpu.memory_space<hbm>> -> memref<8x1024xf32, #tpu.memory_space<hbm>>
        %dma_wait3A_594 = arith.constant 0 : i32
        %dma_wait3A_595 = tpu.memref_slice %arg4[%select_n3A, %add3A_516, %dma_wait3A_594] : memref<4x8192x1024xf32, #tpu.memory_space<hbm>> -> memref<1x8x1024xf32, #tpu.memory_space<hbm>>
        %dma_wait3A_596 = tpu.memref_squeeze %dma_wait3A_595 : memref<1x8x1024xf32, #tpu.memory_space<hbm>> -> memref<8x1024xf32, #tpu.memory_space<hbm>>
        %dma_wait3A_597 = arith.constant 0 : i32
        %dma_wait3A_598 = arith.constant 0 : i32
        %dma_wait3A_599 = tpu.memref_slice %arg6[%run_scoped3A_517, %dma_wait3A_597, %dma_wait3A_598] : memref<8x8x1024xf32, #tpu.memory_space<vmem>> -> memref<1x8x1024xf32, #tpu.memory_space<vmem>>
        %dma_wait3A_600 = tpu.memref_squeeze %dma_wait3A_599 : memref<1x8x1024xf32, #tpu.memory_space<vmem>> -> memref<8x1024xf32, #tpu.memory_space<vmem>>
        tpu.wait_dma2 semaphore(%run_scoped3A_572 : memref<!tpu.dma_semaphore, #tpu.memory_space<semaphore_mem>>) src(%dma_wait3A_600 : memref<8x1024xf32, #tpu.memory_space<vmem>>) dst(%dma_wait3A_596 : memref<8x1024xf32, #tpu.memory_space<hbm>>)
        tpu.yield
      }) : () -> ()
      %add3A_518 = arith.constant 8 : i32
      %add3A_519 = arith.addi %add3A_499, %add3A_518 : i32
      %mul3A_520 = arith.constant 8 : i32
      %mul3A_521 = arith.muli %add3A_519, %mul3A_520 : i32
      %dma_start3A_522 = arith.constant 6 : i32
      %dma_start3A_523 = arith.constant 6 : i32
      %dma_start3A_524 = arith.constant 0 : i32
      %dma_start3A_525 = arith.constant 0 : i32
      %dma_start3A_526 = tpu.memref_slice %arg6[%dma_start3A_522, %dma_start3A_524, %dma_start3A_525] : memref<8x8x1024xf32, #tpu.memory_space<vmem>> -> memref<1x8x1024xf32, #tpu.memory_space<vmem>>
      %dma_start3A_527 = tpu.memref_squeeze %dma_start3A_526 : memref<1x8x1024xf32, #tpu.memory_space<vmem>> -> memref<8x1024xf32, #tpu.memory_space<vmem>>
      %dma_start3A_528 = tpu.memref_slice %arg5[%mul3A_521] : memref<1024xi32, #tpu.memory_space<vmem>> -> memref<8xi32, #tpu.memory_space<vmem>>
      %dma_start3A_529 = arith.constant 0 : i32
      %dma_start3A_530 = arith.constant 0 : i32
      %dma_start3A_531 = tpu.memref_slice %arg2[%dma_start3A_529, %dma_start3A_530] : memref<100000x1024xf32, #tpu.memory_space<hbm>> -> memref<100000x1024xf32, #tpu.memory_space<hbm>>
      %dma_start3A_532 = tpu.memref_slice %arg7[%dma_start3A_523] : memref<8x!tpu.dma_semaphore, #tpu.memory_space<semaphore_mem>> -> memref<1x!tpu.dma_semaphore, #tpu.memory_space<semaphore_mem>>
      %dma_start3A_533 = tpu.memref_squeeze %dma_start3A_532 : memref<1x!tpu.dma_semaphore, #tpu.memory_space<semaphore_mem>> -> memref<!tpu.dma_semaphore, #tpu.memory_space<semaphore_mem>>
      tpu.enqueue_indirect_dma source(%dma_start3A_531 : memref<100000x1024xf32, #tpu.memory_space<hbm>>) target(%dma_start3A_527 : memref<8x1024xf32, #tpu.memory_space<vmem>>) offsets(%dma_start3A_528 : memref<8xi32, #tpu.memory_space<vmem>>) semaphore(%dma_start3A_533 : memref<!tpu.dma_semaphore, #tpu.memory_space<semaphore_mem>>)
      %mul3A_534 = arith.constant 8 : i32
      %mul3A_535 = arith.muli %scan3A_267, %mul3A_534 : i32
      %add3A_536 = arith.constant 7 : i32
      %add3A_537 = arith.addi %mul3A_535, %add3A_536 : i32
      %mul3A_538 = arith.constant 8 : i32
      %mul3A_539 = arith.muli %add3A_537, %mul3A_538 : i32
      %dma_wait3A_540 = arith.constant 7 : i32
      %dma_wait3A_541 = arith.constant 7 : i32
      %dma_wait3A_542 = arith.constant 0 : i32
      %dma_wait3A_543 = arith.constant 0 : i32
      %dma_wait3A_544 = tpu.memref_slice %arg6[%dma_wait3A_540, %dma_wait3A_542, %dma_wait3A_543] : memref<8x8x1024xf32, #tpu.memory_space<vmem>> -> memref<1x8x1024xf32, #tpu.memory_space<vmem>>
      %dma_wait3A_545 = tpu.memref_squeeze %dma_wait3A_544 : memref<1x8x1024xf32, #tpu.memory_space<vmem>> -> memref<8x1024xf32, #tpu.memory_space<vmem>>
      %dma_wait3A_546 = tpu.memref_slice %arg5[%mul3A_539] : memref<1024xi32, #tpu.memory_space<vmem>> -> memref<8xi32, #tpu.memory_space<vmem>>
      %dma_wait3A_547 = arith.constant 0 : i32
      %dma_wait3A_548 = arith.constant 0 : i32
      %dma_wait3A_549 = tpu.memref_slice %arg2[%dma_wait3A_547, %dma_wait3A_548] : memref<100000x1024xf32, #tpu.memory_space<hbm>> -> memref<100000x1024xf32, #tpu.memory_space<hbm>>
      %dma_wait3A_550 = tpu.memref_slice %arg7[%dma_wait3A_541] : memref<8x!tpu.dma_semaphore, #tpu.memory_space<semaphore_mem>> -> memref<1x!tpu.dma_semaphore, #tpu.memory_space<semaphore_mem>>
      %dma_wait3A_551 = tpu.memref_squeeze %dma_wait3A_550 : memref<1x!tpu.dma_semaphore, #tpu.memory_space<semaphore_mem>> -> memref<!tpu.dma_semaphore, #tpu.memory_space<semaphore_mem>>
      tpu.wait_indirect_dma semaphore(%dma_wait3A_551 : memref<!tpu.dma_semaphore, #tpu.memory_space<semaphore_mem>>) src(%dma_wait3A_549 : memref<100000x1024xf32, #tpu.memory_space<hbm>>) dst(%dma_wait3A_545 : memref<8x1024xf32, #tpu.memory_space<vmem>>)
      %mul3A_552 = arith.constant 8 : i32
      %mul3A_553 = arith.muli %add3A_537, %mul3A_552 : i32
      %add3A_554 = arith.addi %mul3A_32, %mul3A_553 : i32
      %run_scoped3A_555 = arith.constant 7 : i32
      "tpu.region"() ({
        %run_scoped3A_572 = tpu.sem_alloc : memref<!tpu.dma_semaphore, #tpu.memory_space<semaphore_mem>>
        %dma_start3A_573 = arith.constant 0 : i32
        %dma_start3A_574 = arith.constant 0 : i32
        %dma_start3A_575 = tpu.memref_slice %arg6[%run_scoped3A_555, %dma_start3A_573, %dma_start3A_574] : memref<8x8x1024xf32, #tpu.memory_space<vmem>> -> memref<1x8x1024xf32, #tpu.memory_space<vmem>>
        %dma_start3A_576 = tpu.memref_squeeze %dma_start3A_575 : memref<1x8x1024xf32, #tpu.memory_space<vmem>> -> memref<8x1024xf32, #tpu.memory_space<vmem>>
        %dma_start3A_577 = arith.constant 0 : i32
        %dma_start3A_578 = tpu.memref_slice %arg4[%select_n3A, %add3A_554, %dma_start3A_577] : memref<4x8192x1024xf32, #tpu.memory_space<hbm>> -> memref<1x8x1024xf32, #tpu.memory_space<hbm>>
        %dma_start3A_579 = tpu.memref_squeeze %dma_start3A_578 : memref<1x8x1024xf32, #tpu.memory_space<hbm>> -> memref<8x1024xf32, #tpu.memory_space<hbm>>
        %dma_start3A_580 = arith.constant 0 : i32
        %dma_start3A_581 = tpu.memref_slice %arg4[%select_n3A, %add3A_554, %dma_start3A_580] : memref<4x8192x1024xf32, #tpu.memory_space<hbm>> -> memref<1x8x1024xf32, #tpu.memory_space<hbm>>
        %dma_start3A_582 = tpu.memref_squeeze %dma_start3A_581 : memref<1x8x1024xf32, #tpu.memory_space<hbm>> -> memref<8x1024xf32, #tpu.memory_space<hbm>>
        %dma_start3A_583 = arith.constant 0 : i32
        %dma_start3A_584 = arith.constant 0 : i32
        %dma_start3A_585 = tpu.memref_slice %arg6[%run_scoped3A_555, %dma_start3A_583, %dma_start3A_584] : memref<8x8x1024xf32, #tpu.memory_space<vmem>> -> memref<1x8x1024xf32, #tpu.memory_space<vmem>>
        %dma_start3A_586 = tpu.memref_squeeze %dma_start3A_585 : memref<1x8x1024xf32, #tpu.memory_space<vmem>> -> memref<8x1024xf32, #tpu.memory_space<vmem>>
        tpu.enqueue_dma source(%dma_start3A_586 : memref<8x1024xf32, #tpu.memory_space<vmem>>) target(%dma_start3A_582 : memref<8x1024xf32, #tpu.memory_space<hbm>>) target_semaphore(%run_scoped3A_572 : memref<!tpu.dma_semaphore, #tpu.memory_space<semaphore_mem>>)
        %dma_wait3A_587 = arith.constant 0 : i32
        %dma_wait3A_588 = arith.constant 0 : i32
        %dma_wait3A_589 = tpu.memref_slice %arg6[%run_scoped3A_555, %dma_wait3A_587, %dma_wait3A_588] : memref<8x8x1024xf32, #tpu.memory_space<vmem>> -> memref<1x8x1024xf32, #tpu.memory_space<vmem>>
        %dma_wait3A_590 = tpu.memref_squeeze %dma_wait3A_589 : memref<1x8x1024xf32, #tpu.memory_space<vmem>> -> memref<8x1024xf32, #tpu.memory_space<vmem>>
        %dma_wait3A_591 = arith.constant 0 : i32
        %dma_wait3A_592 = tpu.memref_slice %arg4[%select_n3A, %add3A_554, %dma_wait3A_591] : memref<4x8192x1024xf32, #tpu.memory_space<hbm>> -> memref<1x8x1024xf32, #tpu.memory_space<hbm>>
        %dma_wait3A_593 = tpu.memref_squeeze %dma_wait3A_592 : memref<1x8x1024xf32, #tpu.memory_space<hbm>> -> memref<8x1024xf32, #tpu.memory_space<hbm>>
        %dma_wait3A_594 = arith.constant 0 : i32
        %dma_wait3A_595 = tpu.memref_slice %arg4[%select_n3A, %add3A_554, %dma_wait3A_594] : memref<4x8192x1024xf32, #tpu.memory_space<hbm>> -> memref<1x8x1024xf32, #tpu.memory_space<hbm>>
        %dma_wait3A_596 = tpu.memref_squeeze %dma_wait3A_595 : memref<1x8x1024xf32, #tpu.memory_space<hbm>> -> memref<8x1024xf32, #tpu.memory_space<hbm>>
        %dma_wait3A_597 = arith.constant 0 : i32
        %dma_wait3A_598 = arith.constant 0 : i32
        %dma_wait3A_599 = tpu.memref_slice %arg6[%run_scoped3A_555, %dma_wait3A_597, %dma_wait3A_598] : memref<8x8x1024xf32, #tpu.memory_space<vmem>> -> memref<1x8x1024xf32, #tpu.memory_space<vmem>>
        %dma_wait3A_600 = tpu.memref_squeeze %dma_wait3A_599 : memref<1x8x1024xf32, #tpu.memory_space<vmem>> -> memref<8x1024xf32, #tpu.memory_space<vmem>>
        tpu.wait_dma2 semaphore(%run_scoped3A_572 : memref<!tpu.dma_semaphore, #tpu.memory_space<semaphore_mem>>) src(%dma_wait3A_600 : memref<8x1024xf32, #tpu.memory_space<vmem>>) dst(%dma_wait3A_596 : memref<8x1024xf32, #tpu.memory_space<hbm>>)
        tpu.yield
      }) : () -> ()
      %add3A_556 = arith.constant 8 : i32
      %add3A_557 = arith.addi %add3A_537, %add3A_556 : i32
      %mul3A_558 = arith.constant 8 : i32
      %mul3A_559 = arith.muli %add3A_557, %mul3A_558 : i32
      %dma_start3A_560 = arith.constant 7 : i32
      %dma_start3A_561 = arith.constant 7 : i32
      %dma_start3A_562 = arith.constant 0 : i32
      %dma_start3A_563 = arith.constant 0 : i32
      %dma_start3A_564 = tpu.memref_slice %arg6[%dma_start3A_560, %dma_start3A_562, %dma_start3A_563] : memref<8x8x1024xf32, #tpu.memory_space<vmem>> -> memref<1x8x1024xf32, #tpu.memory_space<vmem>>
      %dma_start3A_565 = tpu.memref_squeeze %dma_start3A_564 : memref<1x8x1024xf32, #tpu.memory_space<vmem>> -> memref<8x1024xf32, #tpu.memory_space<vmem>>
      %dma_start3A_566 = tpu.memref_slice %arg5[%mul3A_559] : memref<1024xi32, #tpu.memory_space<vmem>> -> memref<8xi32, #tpu.memory_space<vmem>>
      %dma_start3A_567 = arith.constant 0 : i32
      %dma_start3A_568 = arith.constant 0 : i32
      %dma_start3A_569 = tpu.memref_slice %arg2[%dma_start3A_567, %dma_start3A_568] : memref<100000x1024xf32, #tpu.memory_space<hbm>> -> memref<100000x1024xf32, #tpu.memory_space<hbm>>
      %dma_start3A_570 = tpu.memref_slice %arg7[%dma_start3A_561] : memref<8x!tpu.dma_semaphore, #tpu.memory_space<semaphore_mem>> -> memref<1x!tpu.dma_semaphore, #tpu.memory_space<semaphore_mem>>
      %dma_start3A_571 = tpu.memref_squeeze %dma_start3A_570 : memref<1x!tpu.dma_semaphore, #tpu.memory_space<semaphore_mem>> -> memref<!tpu.dma_semaphore, #tpu.memory_space<semaphore_mem>>
      tpu.enqueue_indirect_dma source(%dma_start3A_569 : memref<100000x1024xf32, #tpu.memory_space<hbm>>) target(%dma_start3A_565 : memref<8x1024xf32, #tpu.memory_space<vmem>>) offsets(%dma_start3A_566 : memref<8xi32, #tpu.memory_space<vmem>>) semaphore(%dma_start3A_571 : memref<!tpu.dma_semaphore, #tpu.memory_space<semaphore_mem>>)
    }
    %scan3A_140 = arith.constant 15 : i32
    %dma_wait3A = arith.constant 0 : i32
    %dma_wait3A_141 = arith.constant 0 : i32
    %dma_wait3A_142 = arith.constant 0 : i32
    %dma_wait3A_143 = arith.constant 0 : i32
    %dma_wait3A_144 = tpu.memref_slice %arg6[%dma_wait3A, %dma_wait3A_142, %dma_wait3A_143] : memref<8x8x1024xf32, #tpu.memory_space<vmem>> -> memref<1x8x1024xf32, #tpu.memory_space<vmem>>
    %dma_wait3A_145 = tpu.memref_squeeze %dma_wait3A_144 : memref<1x8x1024xf32, #tpu.memory_space<vmem>> -> memref<8x1024xf32, #tpu.memory_space<vmem>>
    %dma_wait3A_146 = arith.constant 960 : i32
    %dma_wait3A_147 = tpu.memref_slice %arg5[%dma_wait3A_146] : memref<1024xi32, #tpu.memory_space<vmem>> -> memref<8xi32, #tpu.memory_space<vmem>>
    %dma_wait3A_148 = arith.constant 0 : i32
    %dma_wait3A_149 = arith.constant 0 : i32
    %dma_wait3A_150 = tpu.memref_slice %arg2[%dma_wait3A_148, %dma_wait3A_149] : memref<100000x1024xf32, #tpu.memory_space<hbm>> -> memref<100000x1024xf32, #tpu.memory_space<hbm>>
    %dma_wait3A_151 = tpu.memref_slice %arg7[%dma_wait3A_141] : memref<8x!tpu.dma_semaphore, #tpu.memory_space<semaphore_mem>> -> memref<1x!tpu.dma_semaphore, #tpu.memory_space<semaphore_mem>>
    %dma_wait3A_152 = tpu.memref_squeeze %dma_wait3A_151 : memref<1x!tpu.dma_semaphore, #tpu.memory_space<semaphore_mem>> -> memref<!tpu.dma_semaphore, #tpu.memory_space<semaphore_mem>>
    tpu.wait_indirect_dma semaphore(%dma_wait3A_152 : memref<!tpu.dma_semaphore, #tpu.memory_space<semaphore_mem>>) src(%dma_wait3A_150 : memref<100000x1024xf32, #tpu.memory_space<hbm>>) dst(%dma_wait3A_145 : memref<8x1024xf32, #tpu.memory_space<vmem>>)
    %add3A_153 = arith.constant 960 : i32
    %add3A_154 = arith.addi %mul3A_32, %add3A_153 : i32
    %run_scoped3A = arith.constant 0 : i32
    "tpu.region"() ({
      %run_scoped3A_267 = tpu.sem_alloc : memref<!tpu.dma_semaphore, #tpu.memory_space<semaphore_mem>>
      %dma_start3A_268 = arith.constant 0 : i32
      %dma_start3A_269 = arith.constant 0 : i32
      %dma_start3A_270 = tpu.memref_slice %arg6[%run_scoped3A, %dma_start3A_268, %dma_start3A_269] : memref<8x8x1024xf32, #tpu.memory_space<vmem>> -> memref<1x8x1024xf32, #tpu.memory_space<vmem>>
      %dma_start3A_271 = tpu.memref_squeeze %dma_start3A_270 : memref<1x8x1024xf32, #tpu.memory_space<vmem>> -> memref<8x1024xf32, #tpu.memory_space<vmem>>
      %dma_start3A_272 = arith.constant 0 : i32
      %dma_start3A_273 = tpu.memref_slice %arg4[%select_n3A, %add3A_154, %dma_start3A_272] : memref<4x8192x1024xf32, #tpu.memory_space<hbm>> -> memref<1x8x1024xf32, #tpu.memory_space<hbm>>
      %dma_start3A_274 = tpu.memref_squeeze %dma_start3A_273 : memref<1x8x1024xf32, #tpu.memory_space<hbm>> -> memref<8x1024xf32, #tpu.memory_space<hbm>>
      %dma_start3A_275 = arith.constant 0 : i32
      %dma_start3A_276 = tpu.memref_slice %arg4[%select_n3A, %add3A_154, %dma_start3A_275] : memref<4x8192x1024xf32, #tpu.memory_space<hbm>> -> memref<1x8x1024xf32, #tpu.memory_space<hbm>>
      %dma_start3A_277 = tpu.memref_squeeze %dma_start3A_276 : memref<1x8x1024xf32, #tpu.memory_space<hbm>> -> memref<8x1024xf32, #tpu.memory_space<hbm>>
      %dma_start3A_278 = arith.constant 0 : i32
      %dma_start3A_279 = arith.constant 0 : i32
      %dma_start3A_280 = tpu.memref_slice %arg6[%run_scoped3A, %dma_start3A_278, %dma_start3A_279] : memref<8x8x1024xf32, #tpu.memory_space<vmem>> -> memref<1x8x1024xf32, #tpu.memory_space<vmem>>
      %dma_start3A_281 = tpu.memref_squeeze %dma_start3A_280 : memref<1x8x1024xf32, #tpu.memory_space<vmem>> -> memref<8x1024xf32, #tpu.memory_space<vmem>>
      tpu.enqueue_dma source(%dma_start3A_281 : memref<8x1024xf32, #tpu.memory_space<vmem>>) target(%dma_start3A_277 : memref<8x1024xf32, #tpu.memory_space<hbm>>) target_semaphore(%run_scoped3A_267 : memref<!tpu.dma_semaphore, #tpu.memory_space<semaphore_mem>>)
      %dma_wait3A_282 = arith.constant 0 : i32
      %dma_wait3A_283 = arith.constant 0 : i32
      %dma_wait3A_284 = tpu.memref_slice %arg6[%run_scoped3A, %dma_wait3A_282, %dma_wait3A_283] : memref<8x8x1024xf32, #tpu.memory_space<vmem>> -> memref<1x8x1024xf32, #tpu.memory_space<vmem>>
      %dma_wait3A_285 = tpu.memref_squeeze %dma_wait3A_284 : memref<1x8x1024xf32, #tpu.memory_space<vmem>> -> memref<8x1024xf32, #tpu.memory_space<vmem>>
      %dma_wait3A_286 = arith.constant 0 : i32
      %dma_wait3A_287 = tpu.memref_slice %arg4[%select_n3A, %add3A_154, %dma_wait3A_286] : memref<4x8192x1024xf32, #tpu.memory_space<hbm>> -> memref<1x8x1024xf32, #tpu.memory_space<hbm>>
      %dma_wait3A_288 = tpu.memref_squeeze %dma_wait3A_287 : memref<1x8x1024xf32, #tpu.memory_space<hbm>> -> memref<8x1024xf32, #tpu.memory_space<hbm>>
      %dma_wait3A_289 = arith.constant 0 : i32
      %dma_wait3A_290 = tpu.memref_slice %arg4[%select_n3A, %add3A_154, %dma_wait3A_289] : memref<4x8192x1024xf32, #tpu.memory_space<hbm>> -> memref<1x8x1024xf32, #tpu.memory_space<hbm>>
      %dma_wait3A_291 = tpu.memref_squeeze %dma_wait3A_290 : memref<1x8x1024xf32, #tpu.memory_space<hbm>> -> memref<8x1024xf32, #tpu.memory_space<hbm>>
      %dma_wait3A_292 = arith.constant 0 : i32
      %dma_wait3A_293 = arith.constant 0 : i32
      %dma_wait3A_294 = tpu.memref_slice %arg6[%run_scoped3A, %dma_wait3A_292, %dma_wait3A_293] : memref<8x8x1024xf32, #tpu.memory_space<vmem>> -> memref<1x8x1024xf32, #tpu.memory_space<vmem>>
      %dma_wait3A_295 = tpu.memref_squeeze %dma_wait3A_294 : memref<1x8x1024xf32, #tpu.memory_space<vmem>> -> memref<8x1024xf32, #tpu.memory_space<vmem>>
      tpu.wait_dma2 semaphore(%run_scoped3A_267 : memref<!tpu.dma_semaphore, #tpu.memory_space<semaphore_mem>>) src(%dma_wait3A_295 : memref<8x1024xf32, #tpu.memory_space<vmem>>) dst(%dma_wait3A_291 : memref<8x1024xf32, #tpu.memory_space<hbm>>)
      tpu.yield
    }) : () -> ()
    %dma_wait3A_155 = arith.constant 1 : i32
    %dma_wait3A_156 = arith.constant 1 : i32
    %dma_wait3A_157 = arith.constant 0 : i32
    %dma_wait3A_158 = arith.constant 0 : i32
    %dma_wait3A_159 = tpu.memref_slice %arg6[%dma_wait3A_155, %dma_wait3A_157, %dma_wait3A_158] : memref<8x8x1024xf32, #tpu.memory_space<vmem>> -> memref<1x8x1024xf32, #tpu.memory_space<vmem>>
    %dma_wait3A_160 = tpu.memref_squeeze %dma_wait3A_159 : memref<1x8x1024xf32, #tpu.memory_space<vmem>> -> memref<8x1024xf32, #tpu.memory_space<vmem>>
    %dma_wait3A_161 = arith.constant 968 : i32
    %dma_wait3A_162 = tpu.memref_slice %arg5[%dma_wait3A_161] : memref<1024xi32, #tpu.memory_space<vmem>> -> memref<8xi32, #tpu.memory_space<vmem>>
    %dma_wait3A_163 = arith.constant 0 : i32
    %dma_wait3A_164 = arith.constant 0 : i32
    %dma_wait3A_165 = tpu.memref_slice %arg2[%dma_wait3A_163, %dma_wait3A_164] : memref<100000x1024xf32, #tpu.memory_space<hbm>> -> memref<100000x1024xf32, #tpu.memory_space<hbm>>
    %dma_wait3A_166 = tpu.memref_slice %arg7[%dma_wait3A_156] : memref<8x!tpu.dma_semaphore, #tpu.memory_space<semaphore_mem>> -> memref<1x!tpu.dma_semaphore, #tpu.memory_space<semaphore_mem>>
    %dma_wait3A_167 = tpu.memref_squeeze %dma_wait3A_166 : memref<1x!tpu.dma_semaphore, #tpu.memory_space<semaphore_mem>> -> memref<!tpu.dma_semaphore, #tpu.memory_space<semaphore_mem>>
    tpu.wait_indirect_dma semaphore(%dma_wait3A_167 : memref<!tpu.dma_semaphore, #tpu.memory_space<semaphore_mem>>) src(%dma_wait3A_165 : memref<100000x1024xf32, #tpu.memory_space<hbm>>) dst(%dma_wait3A_160 : memref<8x1024xf32, #tpu.memory_space<vmem>>)
    %add3A_168 = arith.constant 968 : i32
    %add3A_169 = arith.addi %mul3A_32, %add3A_168 : i32
    %run_scoped3A_170 = arith.constant 1 : i32
    "tpu.region"() ({
      %run_scoped3A_267 = tpu.sem_alloc : memref<!tpu.dma_semaphore, #tpu.memory_space<semaphore_mem>>
      %dma_start3A_268 = arith.constant 0 : i32
      %dma_start3A_269 = arith.constant 0 : i32
      %dma_start3A_270 = tpu.memref_slice %arg6[%run_scoped3A_170, %dma_start3A_268, %dma_start3A_269] : memref<8x8x1024xf32, #tpu.memory_space<vmem>> -> memref<1x8x1024xf32, #tpu.memory_space<vmem>>
      %dma_start3A_271 = tpu.memref_squeeze %dma_start3A_270 : memref<1x8x1024xf32, #tpu.memory_space<vmem>> -> memref<8x1024xf32, #tpu.memory_space<vmem>>
      %dma_start3A_272 = arith.constant 0 : i32
      %dma_start3A_273 = tpu.memref_slice %arg4[%select_n3A, %add3A_169, %dma_start3A_272] : memref<4x8192x1024xf32, #tpu.memory_space<hbm>> -> memref<1x8x1024xf32, #tpu.memory_space<hbm>>
      %dma_start3A_274 = tpu.memref_squeeze %dma_start3A_273 : memref<1x8x1024xf32, #tpu.memory_space<hbm>> -> memref<8x1024xf32, #tpu.memory_space<hbm>>
      %dma_start3A_275 = arith.constant 0 : i32
      %dma_start3A_276 = tpu.memref_slice %arg4[%select_n3A, %add3A_169, %dma_start3A_275] : memref<4x8192x1024xf32, #tpu.memory_space<hbm>> -> memref<1x8x1024xf32, #tpu.memory_space<hbm>>
      %dma_start3A_277 = tpu.memref_squeeze %dma_start3A_276 : memref<1x8x1024xf32, #tpu.memory_space<hbm>> -> memref<8x1024xf32, #tpu.memory_space<hbm>>
      %dma_start3A_278 = arith.constant 0 : i32
      %dma_start3A_279 = arith.constant 0 : i32
      %dma_start3A_280 = tpu.memref_slice %arg6[%run_scoped3A_170, %dma_start3A_278, %dma_start3A_279] : memref<8x8x1024xf32, #tpu.memory_space<vmem>> -> memref<1x8x1024xf32, #tpu.memory_space<vmem>>
      %dma_start3A_281 = tpu.memref_squeeze %dma_start3A_280 : memref<1x8x1024xf32, #tpu.memory_space<vmem>> -> memref<8x1024xf32, #tpu.memory_space<vmem>>
      tpu.enqueue_dma source(%dma_start3A_281 : memref<8x1024xf32, #tpu.memory_space<vmem>>) target(%dma_start3A_277 : memref<8x1024xf32, #tpu.memory_space<hbm>>) target_semaphore(%run_scoped3A_267 : memref<!tpu.dma_semaphore, #tpu.memory_space<semaphore_mem>>)
      %dma_wait3A_282 = arith.constant 0 : i32
      %dma_wait3A_283 = arith.constant 0 : i32
      %dma_wait3A_284 = tpu.memref_slice %arg6[%run_scoped3A_170, %dma_wait3A_282, %dma_wait3A_283] : memref<8x8x1024xf32, #tpu.memory_space<vmem>> -> memref<1x8x1024xf32, #tpu.memory_space<vmem>>
      %dma_wait3A_285 = tpu.memref_squeeze %dma_wait3A_284 : memref<1x8x1024xf32, #tpu.memory_space<vmem>> -> memref<8x1024xf32, #tpu.memory_space<vmem>>
      %dma_wait3A_286 = arith.constant 0 : i32
      %dma_wait3A_287 = tpu.memref_slice %arg4[%select_n3A, %add3A_169, %dma_wait3A_286] : memref<4x8192x1024xf32, #tpu.memory_space<hbm>> -> memref<1x8x1024xf32, #tpu.memory_space<hbm>>
      %dma_wait3A_288 = tpu.memref_squeeze %dma_wait3A_287 : memref<1x8x1024xf32, #tpu.memory_space<hbm>> -> memref<8x1024xf32, #tpu.memory_space<hbm>>
      %dma_wait3A_289 = arith.constant 0 : i32
      %dma_wait3A_290 = tpu.memref_slice %arg4[%select_n3A, %add3A_169, %dma_wait3A_289] : memref<4x8192x1024xf32, #tpu.memory_space<hbm>> -> memref<1x8x1024xf32, #tpu.memory_space<hbm>>
      %dma_wait3A_291 = tpu.memref_squeeze %dma_wait3A_290 : memref<1x8x1024xf32, #tpu.memory_space<hbm>> -> memref<8x1024xf32, #tpu.memory_space<hbm>>
      %dma_wait3A_292 = arith.constant 0 : i32
      %dma_wait3A_293 = arith.constant 0 : i32
      %dma_wait3A_294 = tpu.memref_slice %arg6[%run_scoped3A_170, %dma_wait3A_292, %dma_wait3A_293] : memref<8x8x1024xf32, #tpu.memory_space<vmem>> -> memref<1x8x1024xf32, #tpu.memory_space<vmem>>
      %dma_wait3A_295 = tpu.memref_squeeze %dma_wait3A_294 : memref<1x8x1024xf32, #tpu.memory_space<vmem>> -> memref<8x1024xf32, #tpu.memory_space<vmem>>
      tpu.wait_dma2 semaphore(%run_scoped3A_267 : memref<!tpu.dma_semaphore, #tpu.memory_space<semaphore_mem>>) src(%dma_wait3A_295 : memref<8x1024xf32, #tpu.memory_space<vmem>>) dst(%dma_wait3A_291 : memref<8x1024xf32, #tpu.memory_space<hbm>>)
      tpu.yield
    }) : () -> ()
    %dma_wait3A_171 = arith.constant 2 : i32
    %dma_wait3A_172 = arith.constant 2 : i32
    %dma_wait3A_173 = arith.constant 0 : i32
    %dma_wait3A_174 = arith.constant 0 : i32
    %dma_wait3A_175 = tpu.memref_slice %arg6[%dma_wait3A_171, %dma_wait3A_173, %dma_wait3A_174] : memref<8x8x1024xf32, #tpu.memory_space<vmem>> -> memref<1x8x1024xf32, #tpu.memory_space<vmem>>
    %dma_wait3A_176 = tpu.memref_squeeze %dma_wait3A_175 : memref<1x8x1024xf32, #tpu.memory_space<vmem>> -> memref<8x1024xf32, #tpu.memory_space<vmem>>
    %dma_wait3A_177 = arith.constant 976 : i32
    %dma_wait3A_178 = tpu.memref_slice %arg5[%dma_wait3A_177] : memref<1024xi32, #tpu.memory_space<vmem>> -> memref<8xi32, #tpu.memory_space<vmem>>
    %dma_wait3A_179 = arith.constant 0 : i32
    %dma_wait3A_180 = arith.constant 0 : i32
    %dma_wait3A_181 = tpu.memref_slice %arg2[%dma_wait3A_179, %dma_wait3A_180] : memref<100000x1024xf32, #tpu.memory_space<hbm>> -> memref<100000x1024xf32, #tpu.memory_space<hbm>>
    %dma_wait3A_182 = tpu.memref_slice %arg7[%dma_wait3A_172] : memref<8x!tpu.dma_semaphore, #tpu.memory_space<semaphore_mem>> -> memref<1x!tpu.dma_semaphore, #tpu.memory_space<semaphore_mem>>
    %dma_wait3A_183 = tpu.memref_squeeze %dma_wait3A_182 : memref<1x!tpu.dma_semaphore, #tpu.memory_space<semaphore_mem>> -> memref<!tpu.dma_semaphore, #tpu.memory_space<semaphore_mem>>
    tpu.wait_indirect_dma semaphore(%dma_wait3A_183 : memref<!tpu.dma_semaphore, #tpu.memory_space<semaphore_mem>>) src(%dma_wait3A_181 : memref<100000x1024xf32, #tpu.memory_space<hbm>>) dst(%dma_wait3A_176 : memref<8x1024xf32, #tpu.memory_space<vmem>>)
    %add3A_184 = arith.constant 976 : i32
    %add3A_185 = arith.addi %mul3A_32, %add3A_184 : i32
    %run_scoped3A_186 = arith.constant 2 : i32
    "tpu.region"() ({
      %run_scoped3A_267 = tpu.sem_alloc : memref<!tpu.dma_semaphore, #tpu.memory_space<semaphore_mem>>
      %dma_start3A_268 = arith.constant 0 : i32
      %dma_start3A_269 = arith.constant 0 : i32
      %dma_start3A_270 = tpu.memref_slice %arg6[%run_scoped3A_186, %dma_start3A_268, %dma_start3A_269] : memref<8x8x1024xf32, #tpu.memory_space<vmem>> -> memref<1x8x1024xf32, #tpu.memory_space<vmem>>
      %dma_start3A_271 = tpu.memref_squeeze %dma_start3A_270 : memref<1x8x1024xf32, #tpu.memory_space<vmem>> -> memref<8x1024xf32, #tpu.memory_space<vmem>>
      %dma_start3A_272 = arith.constant 0 : i32
      %dma_start3A_273 = tpu.memref_slice %arg4[%select_n3A, %add3A_185, %dma_start3A_272] : memref<4x8192x1024xf32, #tpu.memory_space<hbm>> -> memref<1x8x1024xf32, #tpu.memory_space<hbm>>
      %dma_start3A_274 = tpu.memref_squeeze %dma_start3A_273 : memref<1x8x1024xf32, #tpu.memory_space<hbm>> -> memref<8x1024xf32, #tpu.memory_space<hbm>>
      %dma_start3A_275 = arith.constant 0 : i32
      %dma_start3A_276 = tpu.memref_slice %arg4[%select_n3A, %add3A_185, %dma_start3A_275] : memref<4x8192x1024xf32, #tpu.memory_space<hbm>> -> memref<1x8x1024xf32, #tpu.memory_space<hbm>>
      %dma_start3A_277 = tpu.memref_squeeze %dma_start3A_276 : memref<1x8x1024xf32, #tpu.memory_space<hbm>> -> memref<8x1024xf32, #tpu.memory_space<hbm>>
      %dma_start3A_278 = arith.constant 0 : i32
      %dma_start3A_279 = arith.constant 0 : i32
      %dma_start3A_280 = tpu.memref_slice %arg6[%run_scoped3A_186, %dma_start3A_278, %dma_start3A_279] : memref<8x8x1024xf32, #tpu.memory_space<vmem>> -> memref<1x8x1024xf32, #tpu.memory_space<vmem>>
      %dma_start3A_281 = tpu.memref_squeeze %dma_start3A_280 : memref<1x8x1024xf32, #tpu.memory_space<vmem>> -> memref<8x1024xf32, #tpu.memory_space<vmem>>
      tpu.enqueue_dma source(%dma_start3A_281 : memref<8x1024xf32, #tpu.memory_space<vmem>>) target(%dma_start3A_277 : memref<8x1024xf32, #tpu.memory_space<hbm>>) target_semaphore(%run_scoped3A_267 : memref<!tpu.dma_semaphore, #tpu.memory_space<semaphore_mem>>)
      %dma_wait3A_282 = arith.constant 0 : i32
      %dma_wait3A_283 = arith.constant 0 : i32
      %dma_wait3A_284 = tpu.memref_slice %arg6[%run_scoped3A_186, %dma_wait3A_282, %dma_wait3A_283] : memref<8x8x1024xf32, #tpu.memory_space<vmem>> -> memref<1x8x1024xf32, #tpu.memory_space<vmem>>
      %dma_wait3A_285 = tpu.memref_squeeze %dma_wait3A_284 : memref<1x8x1024xf32, #tpu.memory_space<vmem>> -> memref<8x1024xf32, #tpu.memory_space<vmem>>
      %dma_wait3A_286 = arith.constant 0 : i32
      %dma_wait3A_287 = tpu.memref_slice %arg4[%select_n3A, %add3A_185, %dma_wait3A_286] : memref<4x8192x1024xf32, #tpu.memory_space<hbm>> -> memref<1x8x1024xf32, #tpu.memory_space<hbm>>
      %dma_wait3A_288 = tpu.memref_squeeze %dma_wait3A_287 : memref<1x8x1024xf32, #tpu.memory_space<hbm>> -> memref<8x1024xf32, #tpu.memory_space<hbm>>
      %dma_wait3A_289 = arith.constant 0 : i32
      %dma_wait3A_290 = tpu.memref_slice %arg4[%select_n3A, %add3A_185, %dma_wait3A_289] : memref<4x8192x1024xf32, #tpu.memory_space<hbm>> -> memref<1x8x1024xf32, #tpu.memory_space<hbm>>
      %dma_wait3A_291 = tpu.memref_squeeze %dma_wait3A_290 : memref<1x8x1024xf32, #tpu.memory_space<hbm>> -> memref<8x1024xf32, #tpu.memory_space<hbm>>
      %dma_wait3A_292 = arith.constant 0 : i32
      %dma_wait3A_293 = arith.constant 0 : i32
      %dma_wait3A_294 = tpu.memref_slice %arg6[%run_scoped3A_186, %dma_wait3A_292, %dma_wait3A_293] : memref<8x8x1024xf32, #tpu.memory_space<vmem>> -> memref<1x8x1024xf32, #tpu.memory_space<vmem>>
      %dma_wait3A_295 = tpu.memref_squeeze %dma_wait3A_294 : memref<1x8x1024xf32, #tpu.memory_space<vmem>> -> memref<8x1024xf32, #tpu.memory_space<vmem>>
      tpu.wait_dma2 semaphore(%run_scoped3A_267 : memref<!tpu.dma_semaphore, #tpu.memory_space<semaphore_mem>>) src(%dma_wait3A_295 : memref<8x1024xf32, #tpu.memory_space<vmem>>) dst(%dma_wait3A_291 : memref<8x1024xf32, #tpu.memory_space<hbm>>)
      tpu.yield
    }) : () -> ()
    %dma_wait3A_187 = arith.constant 3 : i32
    %dma_wait3A_188 = arith.constant 3 : i32
    %dma_wait3A_189 = arith.constant 0 : i32
    %dma_wait3A_190 = arith.constant 0 : i32
    %dma_wait3A_191 = tpu.memref_slice %arg6[%dma_wait3A_187, %dma_wait3A_189, %dma_wait3A_190] : memref<8x8x1024xf32, #tpu.memory_space<vmem>> -> memref<1x8x1024xf32, #tpu.memory_space<vmem>>
    %dma_wait3A_192 = tpu.memref_squeeze %dma_wait3A_191 : memref<1x8x1024xf32, #tpu.memory_space<vmem>> -> memref<8x1024xf32, #tpu.memory_space<vmem>>
    %dma_wait3A_193 = arith.constant 984 : i32
    %dma_wait3A_194 = tpu.memref_slice %arg5[%dma_wait3A_193] : memref<1024xi32, #tpu.memory_space<vmem>> -> memref<8xi32, #tpu.memory_space<vmem>>
    %dma_wait3A_195 = arith.constant 0 : i32
    %dma_wait3A_196 = arith.constant 0 : i32
    %dma_wait3A_197 = tpu.memref_slice %arg2[%dma_wait3A_195, %dma_wait3A_196] : memref<100000x1024xf32, #tpu.memory_space<hbm>> -> memref<100000x1024xf32, #tpu.memory_space<hbm>>
    %dma_wait3A_198 = tpu.memref_slice %arg7[%dma_wait3A_188] : memref<8x!tpu.dma_semaphore, #tpu.memory_space<semaphore_mem>> -> memref<1x!tpu.dma_semaphore, #tpu.memory_space<semaphore_mem>>
    %dma_wait3A_199 = tpu.memref_squeeze %dma_wait3A_198 : memref<1x!tpu.dma_semaphore, #tpu.memory_space<semaphore_mem>> -> memref<!tpu.dma_semaphore, #tpu.memory_space<semaphore_mem>>
    tpu.wait_indirect_dma semaphore(%dma_wait3A_199 : memref<!tpu.dma_semaphore, #tpu.memory_space<semaphore_mem>>) src(%dma_wait3A_197 : memref<100000x1024xf32, #tpu.memory_space<hbm>>) dst(%dma_wait3A_192 : memref<8x1024xf32, #tpu.memory_space<vmem>>)
    %add3A_200 = arith.constant 984 : i32
    %add3A_201 = arith.addi %mul3A_32, %add3A_200 : i32
    %run_scoped3A_202 = arith.constant 3 : i32
    "tpu.region"() ({
      %run_scoped3A_267 = tpu.sem_alloc : memref<!tpu.dma_semaphore, #tpu.memory_space<semaphore_mem>>
      %dma_start3A_268 = arith.constant 0 : i32
      %dma_start3A_269 = arith.constant 0 : i32
      %dma_start3A_270 = tpu.memref_slice %arg6[%run_scoped3A_202, %dma_start3A_268, %dma_start3A_269] : memref<8x8x1024xf32, #tpu.memory_space<vmem>> -> memref<1x8x1024xf32, #tpu.memory_space<vmem>>
      %dma_start3A_271 = tpu.memref_squeeze %dma_start3A_270 : memref<1x8x1024xf32, #tpu.memory_space<vmem>> -> memref<8x1024xf32, #tpu.memory_space<vmem>>
      %dma_start3A_272 = arith.constant 0 : i32
      %dma_start3A_273 = tpu.memref_slice %arg4[%select_n3A, %add3A_201, %dma_start3A_272] : memref<4x8192x1024xf32, #tpu.memory_space<hbm>> -> memref<1x8x1024xf32, #tpu.memory_space<hbm>>
      %dma_start3A_274 = tpu.memref_squeeze %dma_start3A_273 : memref<1x8x1024xf32, #tpu.memory_space<hbm>> -> memref<8x1024xf32, #tpu.memory_space<hbm>>
      %dma_start3A_275 = arith.constant 0 : i32
      %dma_start3A_276 = tpu.memref_slice %arg4[%select_n3A, %add3A_201, %dma_start3A_275] : memref<4x8192x1024xf32, #tpu.memory_space<hbm>> -> memref<1x8x1024xf32, #tpu.memory_space<hbm>>
      %dma_start3A_277 = tpu.memref_squeeze %dma_start3A_276 : memref<1x8x1024xf32, #tpu.memory_space<hbm>> -> memref<8x1024xf32, #tpu.memory_space<hbm>>
      %dma_start3A_278 = arith.constant 0 : i32
      %dma_start3A_279 = arith.constant 0 : i32
      %dma_start3A_280 = tpu.memref_slice %arg6[%run_scoped3A_202, %dma_start3A_278, %dma_start3A_279] : memref<8x8x1024xf32, #tpu.memory_space<vmem>> -> memref<1x8x1024xf32, #tpu.memory_space<vmem>>
      %dma_start3A_281 = tpu.memref_squeeze %dma_start3A_280 : memref<1x8x1024xf32, #tpu.memory_space<vmem>> -> memref<8x1024xf32, #tpu.memory_space<vmem>>
      tpu.enqueue_dma source(%dma_start3A_281 : memref<8x1024xf32, #tpu.memory_space<vmem>>) target(%dma_start3A_277 : memref<8x1024xf32, #tpu.memory_space<hbm>>) target_semaphore(%run_scoped3A_267 : memref<!tpu.dma_semaphore, #tpu.memory_space<semaphore_mem>>)
      %dma_wait3A_282 = arith.constant 0 : i32
      %dma_wait3A_283 = arith.constant 0 : i32
      %dma_wait3A_284 = tpu.memref_slice %arg6[%run_scoped3A_202, %dma_wait3A_282, %dma_wait3A_283] : memref<8x8x1024xf32, #tpu.memory_space<vmem>> -> memref<1x8x1024xf32, #tpu.memory_space<vmem>>
      %dma_wait3A_285 = tpu.memref_squeeze %dma_wait3A_284 : memref<1x8x1024xf32, #tpu.memory_space<vmem>> -> memref<8x1024xf32, #tpu.memory_space<vmem>>
      %dma_wait3A_286 = arith.constant 0 : i32
      %dma_wait3A_287 = tpu.memref_slice %arg4[%select_n3A, %add3A_201, %dma_wait3A_286] : memref<4x8192x1024xf32, #tpu.memory_space<hbm>> -> memref<1x8x1024xf32, #tpu.memory_space<hbm>>
      %dma_wait3A_288 = tpu.memref_squeeze %dma_wait3A_287 : memref<1x8x1024xf32, #tpu.memory_space<hbm>> -> memref<8x1024xf32, #tpu.memory_space<hbm>>
      %dma_wait3A_289 = arith.constant 0 : i32
      %dma_wait3A_290 = tpu.memref_slice %arg4[%select_n3A, %add3A_201, %dma_wait3A_289] : memref<4x8192x1024xf32, #tpu.memory_space<hbm>> -> memref<1x8x1024xf32, #tpu.memory_space<hbm>>
      %dma_wait3A_291 = tpu.memref_squeeze %dma_wait3A_290 : memref<1x8x1024xf32, #tpu.memory_space<hbm>> -> memref<8x1024xf32, #tpu.memory_space<hbm>>
      %dma_wait3A_292 = arith.constant 0 : i32
      %dma_wait3A_293 = arith.constant 0 : i32
      %dma_wait3A_294 = tpu.memref_slice %arg6[%run_scoped3A_202, %dma_wait3A_292, %dma_wait3A_293] : memref<8x8x1024xf32, #tpu.memory_space<vmem>> -> memref<1x8x1024xf32, #tpu.memory_space<vmem>>
      %dma_wait3A_295 = tpu.memref_squeeze %dma_wait3A_294 : memref<1x8x1024xf32, #tpu.memory_space<vmem>> -> memref<8x1024xf32, #tpu.memory_space<vmem>>
      tpu.wait_dma2 semaphore(%run_scoped3A_267 : memref<!tpu.dma_semaphore, #tpu.memory_space<semaphore_mem>>) src(%dma_wait3A_295 : memref<8x1024xf32, #tpu.memory_space<vmem>>) dst(%dma_wait3A_291 : memref<8x1024xf32, #tpu.memory_space<hbm>>)
      tpu.yield
    }) : () -> ()
    %dma_wait3A_203 = arith.constant 4 : i32
    %dma_wait3A_204 = arith.constant 4 : i32
    %dma_wait3A_205 = arith.constant 0 : i32
    %dma_wait3A_206 = arith.constant 0 : i32
    %dma_wait3A_207 = tpu.memref_slice %arg6[%dma_wait3A_203, %dma_wait3A_205, %dma_wait3A_206] : memref<8x8x1024xf32, #tpu.memory_space<vmem>> -> memref<1x8x1024xf32, #tpu.memory_space<vmem>>
    %dma_wait3A_208 = tpu.memref_squeeze %dma_wait3A_207 : memref<1x8x1024xf32, #tpu.memory_space<vmem>> -> memref<8x1024xf32, #tpu.memory_space<vmem>>
    %dma_wait3A_209 = arith.constant 992 : i32
    %dma_wait3A_210 = tpu.memref_slice %arg5[%dma_wait3A_209] : memref<1024xi32, #tpu.memory_space<vmem>> -> memref<8xi32, #tpu.memory_space<vmem>>
    %dma_wait3A_211 = arith.constant 0 : i32
    %dma_wait3A_212 = arith.constant 0 : i32
    %dma_wait3A_213 = tpu.memref_slice %arg2[%dma_wait3A_211, %dma_wait3A_212] : memref<100000x1024xf32, #tpu.memory_space<hbm>> -> memref<100000x1024xf32, #tpu.memory_space<hbm>>
    %dma_wait3A_214 = tpu.memref_slice %arg7[%dma_wait3A_204] : memref<8x!tpu.dma_semaphore, #tpu.memory_space<semaphore_mem>> -> memref<1x!tpu.dma_semaphore, #tpu.memory_space<semaphore_mem>>
    %dma_wait3A_215 = tpu.memref_squeeze %dma_wait3A_214 : memref<1x!tpu.dma_semaphore, #tpu.memory_space<semaphore_mem>> -> memref<!tpu.dma_semaphore, #tpu.memory_space<semaphore_mem>>
    tpu.wait_indirect_dma semaphore(%dma_wait3A_215 : memref<!tpu.dma_semaphore, #tpu.memory_space<semaphore_mem>>) src(%dma_wait3A_213 : memref<100000x1024xf32, #tpu.memory_space<hbm>>) dst(%dma_wait3A_208 : memref<8x1024xf32, #tpu.memory_space<vmem>>)
    %add3A_216 = arith.constant 992 : i32
    %add3A_217 = arith.addi %mul3A_32, %add3A_216 : i32
    %run_scoped3A_218 = arith.constant 4 : i32
    "tpu.region"() ({
      %run_scoped3A_267 = tpu.sem_alloc : memref<!tpu.dma_semaphore, #tpu.memory_space<semaphore_mem>>
      %dma_start3A_268 = arith.constant 0 : i32
      %dma_start3A_269 = arith.constant 0 : i32
      %dma_start3A_270 = tpu.memref_slice %arg6[%run_scoped3A_218, %dma_start3A_268, %dma_start3A_269] : memref<8x8x1024xf32, #tpu.memory_space<vmem>> -> memref<1x8x1024xf32, #tpu.memory_space<vmem>>
      %dma_start3A_271 = tpu.memref_squeeze %dma_start3A_270 : memref<1x8x1024xf32, #tpu.memory_space<vmem>> -> memref<8x1024xf32, #tpu.memory_space<vmem>>
      %dma_start3A_272 = arith.constant 0 : i32
      %dma_start3A_273 = tpu.memref_slice %arg4[%select_n3A, %add3A_217, %dma_start3A_272] : memref<4x8192x1024xf32, #tpu.memory_space<hbm>> -> memref<1x8x1024xf32, #tpu.memory_space<hbm>>
      %dma_start3A_274 = tpu.memref_squeeze %dma_start3A_273 : memref<1x8x1024xf32, #tpu.memory_space<hbm>> -> memref<8x1024xf32, #tpu.memory_space<hbm>>
      %dma_start3A_275 = arith.constant 0 : i32
      %dma_start3A_276 = tpu.memref_slice %arg4[%select_n3A, %add3A_217, %dma_start3A_275] : memref<4x8192x1024xf32, #tpu.memory_space<hbm>> -> memref<1x8x1024xf32, #tpu.memory_space<hbm>>
      %dma_start3A_277 = tpu.memref_squeeze %dma_start3A_276 : memref<1x8x1024xf32, #tpu.memory_space<hbm>> -> memref<8x1024xf32, #tpu.memory_space<hbm>>
      %dma_start3A_278 = arith.constant 0 : i32
      %dma_start3A_279 = arith.constant 0 : i32
      %dma_start3A_280 = tpu.memref_slice %arg6[%run_scoped3A_218, %dma_start3A_278, %dma_start3A_279] : memref<8x8x1024xf32, #tpu.memory_space<vmem>> -> memref<1x8x1024xf32, #tpu.memory_space<vmem>>
      %dma_start3A_281 = tpu.memref_squeeze %dma_start3A_280 : memref<1x8x1024xf32, #tpu.memory_space<vmem>> -> memref<8x1024xf32, #tpu.memory_space<vmem>>
      tpu.enqueue_dma source(%dma_start3A_281 : memref<8x1024xf32, #tpu.memory_space<vmem>>) target(%dma_start3A_277 : memref<8x1024xf32, #tpu.memory_space<hbm>>) target_semaphore(%run_scoped3A_267 : memref<!tpu.dma_semaphore, #tpu.memory_space<semaphore_mem>>)
      %dma_wait3A_282 = arith.constant 0 : i32
      %dma_wait3A_283 = arith.constant 0 : i32
      %dma_wait3A_284 = tpu.memref_slice %arg6[%run_scoped3A_218, %dma_wait3A_282, %dma_wait3A_283] : memref<8x8x1024xf32, #tpu.memory_space<vmem>> -> memref<1x8x1024xf32, #tpu.memory_space<vmem>>
      %dma_wait3A_285 = tpu.memref_squeeze %dma_wait3A_284 : memref<1x8x1024xf32, #tpu.memory_space<vmem>> -> memref<8x1024xf32, #tpu.memory_space<vmem>>
      %dma_wait3A_286 = arith.constant 0 : i32
      %dma_wait3A_287 = tpu.memref_slice %arg4[%select_n3A, %add3A_217, %dma_wait3A_286] : memref<4x8192x1024xf32, #tpu.memory_space<hbm>> -> memref<1x8x1024xf32, #tpu.memory_space<hbm>>
      %dma_wait3A_288 = tpu.memref_squeeze %dma_wait3A_287 : memref<1x8x1024xf32, #tpu.memory_space<hbm>> -> memref<8x1024xf32, #tpu.memory_space<hbm>>
      %dma_wait3A_289 = arith.constant 0 : i32
      %dma_wait3A_290 = tpu.memref_slice %arg4[%select_n3A, %add3A_217, %dma_wait3A_289] : memref<4x8192x1024xf32, #tpu.memory_space<hbm>> -> memref<1x8x1024xf32, #tpu.memory_space<hbm>>
      %dma_wait3A_291 = tpu.memref_squeeze %dma_wait3A_290 : memref<1x8x1024xf32, #tpu.memory_space<hbm>> -> memref<8x1024xf32, #tpu.memory_space<hbm>>
      %dma_wait3A_292 = arith.constant 0 : i32
      %dma_wait3A_293 = arith.constant 0 : i32
      %dma_wait3A_294 = tpu.memref_slice %arg6[%run_scoped3A_218, %dma_wait3A_292, %dma_wait3A_293] : memref<8x8x1024xf32, #tpu.memory_space<vmem>> -> memref<1x8x1024xf32, #tpu.memory_space<vmem>>
      %dma_wait3A_295 = tpu.memref_squeeze %dma_wait3A_294 : memref<1x8x1024xf32, #tpu.memory_space<vmem>> -> memref<8x1024xf32, #tpu.memory_space<vmem>>
      tpu.wait_dma2 semaphore(%run_scoped3A_267 : memref<!tpu.dma_semaphore, #tpu.memory_space<semaphore_mem>>) src(%dma_wait3A_295 : memref<8x1024xf32, #tpu.memory_space<vmem>>) dst(%dma_wait3A_291 : memref<8x1024xf32, #tpu.memory_space<hbm>>)
      tpu.yield
    }) : () -> ()
    %dma_wait3A_219 = arith.constant 5 : i32
    %dma_wait3A_220 = arith.constant 5 : i32
    %dma_wait3A_221 = arith.constant 0 : i32
    %dma_wait3A_222 = arith.constant 0 : i32
    %dma_wait3A_223 = tpu.memref_slice %arg6[%dma_wait3A_219, %dma_wait3A_221, %dma_wait3A_222] : memref<8x8x1024xf32, #tpu.memory_space<vmem>> -> memref<1x8x1024xf32, #tpu.memory_space<vmem>>
    %dma_wait3A_224 = tpu.memref_squeeze %dma_wait3A_223 : memref<1x8x1024xf32, #tpu.memory_space<vmem>> -> memref<8x1024xf32, #tpu.memory_space<vmem>>
    %dma_wait3A_225 = arith.constant 1000 : i32
    %dma_wait3A_226 = tpu.memref_slice %arg5[%dma_wait3A_225] : memref<1024xi32, #tpu.memory_space<vmem>> -> memref<8xi32, #tpu.memory_space<vmem>>
    %dma_wait3A_227 = arith.constant 0 : i32
    %dma_wait3A_228 = arith.constant 0 : i32
    %dma_wait3A_229 = tpu.memref_slice %arg2[%dma_wait3A_227, %dma_wait3A_228] : memref<100000x1024xf32, #tpu.memory_space<hbm>> -> memref<100000x1024xf32, #tpu.memory_space<hbm>>
    %dma_wait3A_230 = tpu.memref_slice %arg7[%dma_wait3A_220] : memref<8x!tpu.dma_semaphore, #tpu.memory_space<semaphore_mem>> -> memref<1x!tpu.dma_semaphore, #tpu.memory_space<semaphore_mem>>
    %dma_wait3A_231 = tpu.memref_squeeze %dma_wait3A_230 : memref<1x!tpu.dma_semaphore, #tpu.memory_space<semaphore_mem>> -> memref<!tpu.dma_semaphore, #tpu.memory_space<semaphore_mem>>
    tpu.wait_indirect_dma semaphore(%dma_wait3A_231 : memref<!tpu.dma_semaphore, #tpu.memory_space<semaphore_mem>>) src(%dma_wait3A_229 : memref<100000x1024xf32, #tpu.memory_space<hbm>>) dst(%dma_wait3A_224 : memref<8x1024xf32, #tpu.memory_space<vmem>>)
    %add3A_232 = arith.constant 1000 : i32
    %add3A_233 = arith.addi %mul3A_32, %add3A_232 : i32
    %run_scoped3A_234 = arith.constant 5 : i32
    "tpu.region"() ({
      %run_scoped3A_267 = tpu.sem_alloc : memref<!tpu.dma_semaphore, #tpu.memory_space<semaphore_mem>>
      %dma_start3A_268 = arith.constant 0 : i32
      %dma_start3A_269 = arith.constant 0 : i32
      %dma_start3A_270 = tpu.memref_slice %arg6[%run_scoped3A_234, %dma_start3A_268, %dma_start3A_269] : memref<8x8x1024xf32, #tpu.memory_space<vmem>> -> memref<1x8x1024xf32, #tpu.memory_space<vmem>>
      %dma_start3A_271 = tpu.memref_squeeze %dma_start3A_270 : memref<1x8x1024xf32, #tpu.memory_space<vmem>> -> memref<8x1024xf32, #tpu.memory_space<vmem>>
      %dma_start3A_272 = arith.constant 0 : i32
      %dma_start3A_273 = tpu.memref_slice %arg4[%select_n3A, %add3A_233, %dma_start3A_272] : memref<4x8192x1024xf32, #tpu.memory_space<hbm>> -> memref<1x8x1024xf32, #tpu.memory_space<hbm>>
      %dma_start3A_274 = tpu.memref_squeeze %dma_start3A_273 : memref<1x8x1024xf32, #tpu.memory_space<hbm>> -> memref<8x1024xf32, #tpu.memory_space<hbm>>
      %dma_start3A_275 = arith.constant 0 : i32
      %dma_start3A_276 = tpu.memref_slice %arg4[%select_n3A, %add3A_233, %dma_start3A_275] : memref<4x8192x1024xf32, #tpu.memory_space<hbm>> -> memref<1x8x1024xf32, #tpu.memory_space<hbm>>
      %dma_start3A_277 = tpu.memref_squeeze %dma_start3A_276 : memref<1x8x1024xf32, #tpu.memory_space<hbm>> -> memref<8x1024xf32, #tpu.memory_space<hbm>>
      %dma_start3A_278 = arith.constant 0 : i32
      %dma_start3A_279 = arith.constant 0 : i32
      %dma_start3A_280 = tpu.memref_slice %arg6[%run_scoped3A_234, %dma_start3A_278, %dma_start3A_279] : memref<8x8x1024xf32, #tpu.memory_space<vmem>> -> memref<1x8x1024xf32, #tpu.memory_space<vmem>>
      %dma_start3A_281 = tpu.memref_squeeze %dma_start3A_280 : memref<1x8x1024xf32, #tpu.memory_space<vmem>> -> memref<8x1024xf32, #tpu.memory_space<vmem>>
      tpu.enqueue_dma source(%dma_start3A_281 : memref<8x1024xf32, #tpu.memory_space<vmem>>) target(%dma_start3A_277 : memref<8x1024xf32, #tpu.memory_space<hbm>>) target_semaphore(%run_scoped3A_267 : memref<!tpu.dma_semaphore, #tpu.memory_space<semaphore_mem>>)
      %dma_wait3A_282 = arith.constant 0 : i32
      %dma_wait3A_283 = arith.constant 0 : i32
      %dma_wait3A_284 = tpu.memref_slice %arg6[%run_scoped3A_234, %dma_wait3A_282, %dma_wait3A_283] : memref<8x8x1024xf32, #tpu.memory_space<vmem>> -> memref<1x8x1024xf32, #tpu.memory_space<vmem>>
      %dma_wait3A_285 = tpu.memref_squeeze %dma_wait3A_284 : memref<1x8x1024xf32, #tpu.memory_space<vmem>> -> memref<8x1024xf32, #tpu.memory_space<vmem>>
      %dma_wait3A_286 = arith.constant 0 : i32
      %dma_wait3A_287 = tpu.memref_slice %arg4[%select_n3A, %add3A_233, %dma_wait3A_286] : memref<4x8192x1024xf32, #tpu.memory_space<hbm>> -> memref<1x8x1024xf32, #tpu.memory_space<hbm>>
      %dma_wait3A_288 = tpu.memref_squeeze %dma_wait3A_287 : memref<1x8x1024xf32, #tpu.memory_space<hbm>> -> memref<8x1024xf32, #tpu.memory_space<hbm>>
      %dma_wait3A_289 = arith.constant 0 : i32
      %dma_wait3A_290 = tpu.memref_slice %arg4[%select_n3A, %add3A_233, %dma_wait3A_289] : memref<4x8192x1024xf32, #tpu.memory_space<hbm>> -> memref<1x8x1024xf32, #tpu.memory_space<hbm>>
      %dma_wait3A_291 = tpu.memref_squeeze %dma_wait3A_290 : memref<1x8x1024xf32, #tpu.memory_space<hbm>> -> memref<8x1024xf32, #tpu.memory_space<hbm>>
      %dma_wait3A_292 = arith.constant 0 : i32
      %dma_wait3A_293 = arith.constant 0 : i32
      %dma_wait3A_294 = tpu.memref_slice %arg6[%run_scoped3A_234, %dma_wait3A_292, %dma_wait3A_293] : memref<8x8x1024xf32, #tpu.memory_space<vmem>> -> memref<1x8x1024xf32, #tpu.memory_space<vmem>>
      %dma_wait3A_295 = tpu.memref_squeeze %dma_wait3A_294 : memref<1x8x1024xf32, #tpu.memory_space<vmem>> -> memref<8x1024xf32, #tpu.memory_space<vmem>>
      tpu.wait_dma2 semaphore(%run_scoped3A_267 : memref<!tpu.dma_semaphore, #tpu.memory_space<semaphore_mem>>) src(%dma_wait3A_295 : memref<8x1024xf32, #tpu.memory_space<vmem>>) dst(%dma_wait3A_291 : memref<8x1024xf32, #tpu.memory_space<hbm>>)
      tpu.yield
    }) : () -> ()
    %dma_wait3A_235 = arith.constant 6 : i32
    %dma_wait3A_236 = arith.constant 6 : i32
    %dma_wait3A_237 = arith.constant 0 : i32
    %dma_wait3A_238 = arith.constant 0 : i32
    %dma_wait3A_239 = tpu.memref_slice %arg6[%dma_wait3A_235, %dma_wait3A_237, %dma_wait3A_238] : memref<8x8x1024xf32, #tpu.memory_space<vmem>> -> memref<1x8x1024xf32, #tpu.memory_space<vmem>>
    %dma_wait3A_240 = tpu.memref_squeeze %dma_wait3A_239 : memref<1x8x1024xf32, #tpu.memory_space<vmem>> -> memref<8x1024xf32, #tpu.memory_space<vmem>>
    %dma_wait3A_241 = arith.constant 1008 : i32
    %dma_wait3A_242 = tpu.memref_slice %arg5[%dma_wait3A_241] : memref<1024xi32, #tpu.memory_space<vmem>> -> memref<8xi32, #tpu.memory_space<vmem>>
    %dma_wait3A_243 = arith.constant 0 : i32
    %dma_wait3A_244 = arith.constant 0 : i32
    %dma_wait3A_245 = tpu.memref_slice %arg2[%dma_wait3A_243, %dma_wait3A_244] : memref<100000x1024xf32, #tpu.memory_space<hbm>> -> memref<100000x1024xf32, #tpu.memory_space<hbm>>
    %dma_wait3A_246 = tpu.memref_slice %arg7[%dma_wait3A_236] : memref<8x!tpu.dma_semaphore, #tpu.memory_space<semaphore_mem>> -> memref<1x!tpu.dma_semaphore, #tpu.memory_space<semaphore_mem>>
    %dma_wait3A_247 = tpu.memref_squeeze %dma_wait3A_246 : memref<1x!tpu.dma_semaphore, #tpu.memory_space<semaphore_mem>> -> memref<!tpu.dma_semaphore, #tpu.memory_space<semaphore_mem>>
    tpu.wait_indirect_dma semaphore(%dma_wait3A_247 : memref<!tpu.dma_semaphore, #tpu.memory_space<semaphore_mem>>) src(%dma_wait3A_245 : memref<100000x1024xf32, #tpu.memory_space<hbm>>) dst(%dma_wait3A_240 : memref<8x1024xf32, #tpu.memory_space<vmem>>)
    %add3A_248 = arith.constant 1008 : i32
    %add3A_249 = arith.addi %mul3A_32, %add3A_248 : i32
    %run_scoped3A_250 = arith.constant 6 : i32
    "tpu.region"() ({
      %run_scoped3A_267 = tpu.sem_alloc : memref<!tpu.dma_semaphore, #tpu.memory_space<semaphore_mem>>
      %dma_start3A_268 = arith.constant 0 : i32
      %dma_start3A_269 = arith.constant 0 : i32
      %dma_start3A_270 = tpu.memref_slice %arg6[%run_scoped3A_250, %dma_start3A_268, %dma_start3A_269] : memref<8x8x1024xf32, #tpu.memory_space<vmem>> -> memref<1x8x1024xf32, #tpu.memory_space<vmem>>
      %dma_start3A_271 = tpu.memref_squeeze %dma_start3A_270 : memref<1x8x1024xf32, #tpu.memory_space<vmem>> -> memref<8x1024xf32, #tpu.memory_space<vmem>>
      %dma_start3A_272 = arith.constant 0 : i32
      %dma_start3A_273 = tpu.memref_slice %arg4[%select_n3A, %add3A_249, %dma_start3A_272] : memref<4x8192x1024xf32, #tpu.memory_space<hbm>> -> memref<1x8x1024xf32, #tpu.memory_space<hbm>>
      %dma_start3A_274 = tpu.memref_squeeze %dma_start3A_273 : memref<1x8x1024xf32, #tpu.memory_space<hbm>> -> memref<8x1024xf32, #tpu.memory_space<hbm>>
      %dma_start3A_275 = arith.constant 0 : i32
      %dma_start3A_276 = tpu.memref_slice %arg4[%select_n3A, %add3A_249, %dma_start3A_275] : memref<4x8192x1024xf32, #tpu.memory_space<hbm>> -> memref<1x8x1024xf32, #tpu.memory_space<hbm>>
      %dma_start3A_277 = tpu.memref_squeeze %dma_start3A_276 : memref<1x8x1024xf32, #tpu.memory_space<hbm>> -> memref<8x1024xf32, #tpu.memory_space<hbm>>
      %dma_start3A_278 = arith.constant 0 : i32
      %dma_start3A_279 = arith.constant 0 : i32
      %dma_start3A_280 = tpu.memref_slice %arg6[%run_scoped3A_250, %dma_start3A_278, %dma_start3A_279] : memref<8x8x1024xf32, #tpu.memory_space<vmem>> -> memref<1x8x1024xf32, #tpu.memory_space<vmem>>
      %dma_start3A_281 = tpu.memref_squeeze %dma_start3A_280 : memref<1x8x1024xf32, #tpu.memory_space<vmem>> -> memref<8x1024xf32, #tpu.memory_space<vmem>>
      tpu.enqueue_dma source(%dma_start3A_281 : memref<8x1024xf32, #tpu.memory_space<vmem>>) target(%dma_start3A_277 : memref<8x1024xf32, #tpu.memory_space<hbm>>) target_semaphore(%run_scoped3A_267 : memref<!tpu.dma_semaphore, #tpu.memory_space<semaphore_mem>>)
      %dma_wait3A_282 = arith.constant 0 : i32
      %dma_wait3A_283 = arith.constant 0 : i32
      %dma_wait3A_284 = tpu.memref_slice %arg6[%run_scoped3A_250, %dma_wait3A_282, %dma_wait3A_283] : memref<8x8x1024xf32, #tpu.memory_space<vmem>> -> memref<1x8x1024xf32, #tpu.memory_space<vmem>>
      %dma_wait3A_285 = tpu.memref_squeeze %dma_wait3A_284 : memref<1x8x1024xf32, #tpu.memory_space<vmem>> -> memref<8x1024xf32, #tpu.memory_space<vmem>>
      %dma_wait3A_286 = arith.constant 0 : i32
      %dma_wait3A_287 = tpu.memref_slice %arg4[%select_n3A, %add3A_249, %dma_wait3A_286] : memref<4x8192x1024xf32, #tpu.memory_space<hbm>> -> memref<1x8x1024xf32, #tpu.memory_space<hbm>>
      %dma_wait3A_288 = tpu.memref_squeeze %dma_wait3A_287 : memref<1x8x1024xf32, #tpu.memory_space<hbm>> -> memref<8x1024xf32, #tpu.memory_space<hbm>>
      %dma_wait3A_289 = arith.constant 0 : i32
      %dma_wait3A_290 = tpu.memref_slice %arg4[%select_n3A, %add3A_249, %dma_wait3A_289] : memref<4x8192x1024xf32, #tpu.memory_space<hbm>> -> memref<1x8x1024xf32, #tpu.memory_space<hbm>>
      %dma_wait3A_291 = tpu.memref_squeeze %dma_wait3A_290 : memref<1x8x1024xf32, #tpu.memory_space<hbm>> -> memref<8x1024xf32, #tpu.memory_space<hbm>>
      %dma_wait3A_292 = arith.constant 0 : i32
      %dma_wait3A_293 = arith.constant 0 : i32
      %dma_wait3A_294 = tpu.memref_slice %arg6[%run_scoped3A_250, %dma_wait3A_292, %dma_wait3A_293] : memref<8x8x1024xf32, #tpu.memory_space<vmem>> -> memref<1x8x1024xf32, #tpu.memory_space<vmem>>
      %dma_wait3A_295 = tpu.memref_squeeze %dma_wait3A_294 : memref<1x8x1024xf32, #tpu.memory_space<vmem>> -> memref<8x1024xf32, #tpu.memory_space<vmem>>
      tpu.wait_dma2 semaphore(%run_scoped3A_267 : memref<!tpu.dma_semaphore, #tpu.memory_space<semaphore_mem>>) src(%dma_wait3A_295 : memref<8x1024xf32, #tpu.memory_space<vmem>>) dst(%dma_wait3A_291 : memref<8x1024xf32, #tpu.memory_space<hbm>>)
      tpu.yield
    }) : () -> ()
    %dma_wait3A_251 = arith.constant 7 : i32
    %dma_wait3A_252 = arith.constant 7 : i32
    %dma_wait3A_253 = arith.constant 0 : i32
    %dma_wait3A_254 = arith.constant 0 : i32
    %dma_wait3A_255 = tpu.memref_slice %arg6[%dma_wait3A_251, %dma_wait3A_253, %dma_wait3A_254] : memref<8x8x1024xf32, #tpu.memory_space<vmem>> -> memref<1x8x1024xf32, #tpu.memory_space<vmem>>
    %dma_wait3A_256 = tpu.memref_squeeze %dma_wait3A_255 : memref<1x8x1024xf32, #tpu.memory_space<vmem>> -> memref<8x1024xf32, #tpu.memory_space<vmem>>
    %dma_wait3A_257 = arith.constant 1016 : i32
    %dma_wait3A_258 = tpu.memref_slice %arg5[%dma_wait3A_257] : memref<1024xi32, #tpu.memory_space<vmem>> -> memref<8xi32, #tpu.memory_space<vmem>>
    %dma_wait3A_259 = arith.constant 0 : i32
    %dma_wait3A_260 = arith.constant 0 : i32
    %dma_wait3A_261 = tpu.memref_slice %arg2[%dma_wait3A_259, %dma_wait3A_260] : memref<100000x1024xf32, #tpu.memory_space<hbm>> -> memref<100000x1024xf32, #tpu.memory_space<hbm>>
    %dma_wait3A_262 = tpu.memref_slice %arg7[%dma_wait3A_252] : memref<8x!tpu.dma_semaphore, #tpu.memory_space<semaphore_mem>> -> memref<1x!tpu.dma_semaphore, #tpu.memory_space<semaphore_mem>>
    %dma_wait3A_263 = tpu.memref_squeeze %dma_wait3A_262 : memref<1x!tpu.dma_semaphore, #tpu.memory_space<semaphore_mem>> -> memref<!tpu.dma_semaphore, #tpu.memory_space<semaphore_mem>>
    tpu.wait_indirect_dma semaphore(%dma_wait3A_263 : memref<!tpu.dma_semaphore, #tpu.memory_space<semaphore_mem>>) src(%dma_wait3A_261 : memref<100000x1024xf32, #tpu.memory_space<hbm>>) dst(%dma_wait3A_256 : memref<8x1024xf32, #tpu.memory_space<vmem>>)
    %add3A_264 = arith.constant 1016 : i32
    %add3A_265 = arith.addi %mul3A_32, %add3A_264 : i32
    %run_scoped3A_266 = arith.constant 7 : i32
    "tpu.region"() ({
      %run_scoped3A_267 = tpu.sem_alloc : memref<!tpu.dma_semaphore, #tpu.memory_space<semaphore_mem>>
      %dma_start3A_268 = arith.constant 0 : i32
      %dma_start3A_269 = arith.constant 0 : i32
      %dma_start3A_270 = tpu.memref_slice %arg6[%run_scoped3A_266, %dma_start3A_268, %dma_start3A_269] : memref<8x8x1024xf32, #tpu.memory_space<vmem>> -> memref<1x8x1024xf32, #tpu.memory_space<vmem>>
      %dma_start3A_271 = tpu.memref_squeeze %dma_start3A_270 : memref<1x8x1024xf32, #tpu.memory_space<vmem>> -> memref<8x1024xf32, #tpu.memory_space<vmem>>
      %dma_start3A_272 = arith.constant 0 : i32
      %dma_start3A_273 = tpu.memref_slice %arg4[%select_n3A, %add3A_265, %dma_start3A_272] : memref<4x8192x1024xf32, #tpu.memory_space<hbm>> -> memref<1x8x1024xf32, #tpu.memory_space<hbm>>
      %dma_start3A_274 = tpu.memref_squeeze %dma_start3A_273 : memref<1x8x1024xf32, #tpu.memory_space<hbm>> -> memref<8x1024xf32, #tpu.memory_space<hbm>>
      %dma_start3A_275 = arith.constant 0 : i32
      %dma_start3A_276 = tpu.memref_slice %arg4[%select_n3A, %add3A_265, %dma_start3A_275] : memref<4x8192x1024xf32, #tpu.memory_space<hbm>> -> memref<1x8x1024xf32, #tpu.memory_space<hbm>>
      %dma_start3A_277 = tpu.memref_squeeze %dma_start3A_276 : memref<1x8x1024xf32, #tpu.memory_space<hbm>> -> memref<8x1024xf32, #tpu.memory_space<hbm>>
      %dma_start3A_278 = arith.constant 0 : i32
      %dma_start3A_279 = arith.constant 0 : i32
      %dma_start3A_280 = tpu.memref_slice %arg6[%run_scoped3A_266, %dma_start3A_278, %dma_start3A_279] : memref<8x8x1024xf32, #tpu.memory_space<vmem>> -> memref<1x8x1024xf32, #tpu.memory_space<vmem>>
      %dma_start3A_281 = tpu.memref_squeeze %dma_start3A_280 : memref<1x8x1024xf32, #tpu.memory_space<vmem>> -> memref<8x1024xf32, #tpu.memory_space<vmem>>
      tpu.enqueue_dma source(%dma_start3A_281 : memref<8x1024xf32, #tpu.memory_space<vmem>>) target(%dma_start3A_277 : memref<8x1024xf32, #tpu.memory_space<hbm>>) target_semaphore(%run_scoped3A_267 : memref<!tpu.dma_semaphore, #tpu.memory_space<semaphore_mem>>)
      %dma_wait3A_282 = arith.constant 0 : i32
      %dma_wait3A_283 = arith.constant 0 : i32
      %dma_wait3A_284 = tpu.memref_slice %arg6[%run_scoped3A_266, %dma_wait3A_282, %dma_wait3A_283] : memref<8x8x1024xf32, #tpu.memory_space<vmem>> -> memref<1x8x1024xf32, #tpu.memory_space<vmem>>
      %dma_wait3A_285 = tpu.memref_squeeze %dma_wait3A_284 : memref<1x8x1024xf32, #tpu.memory_space<vmem>> -> memref<8x1024xf32, #tpu.memory_space<vmem>>
      %dma_wait3A_286 = arith.constant 0 : i32
      %dma_wait3A_287 = tpu.memref_slice %arg4[%select_n3A, %add3A_265, %dma_wait3A_286] : memref<4x8192x1024xf32, #tpu.memory_space<hbm>> -> memref<1x8x1024xf32, #tpu.memory_space<hbm>>
      %dma_wait3A_288 = tpu.memref_squeeze %dma_wait3A_287 : memref<1x8x1024xf32, #tpu.memory_space<hbm>> -> memref<8x1024xf32, #tpu.memory_space<hbm>>
      %dma_wait3A_289 = arith.constant 0 : i32
      %dma_wait3A_290 = tpu.memref_slice %arg4[%select_n3A, %add3A_265, %dma_wait3A_289] : memref<4x8192x1024xf32, #tpu.memory_space<hbm>> -> memref<1x8x1024xf32, #tpu.memory_space<hbm>>
      %dma_wait3A_291 = tpu.memref_squeeze %dma_wait3A_290 : memref<1x8x1024xf32, #tpu.memory_space<hbm>> -> memref<8x1024xf32, #tpu.memory_space<hbm>>
      %dma_wait3A_292 = arith.constant 0 : i32
      %dma_wait3A_293 = arith.constant 0 : i32
      %dma_wait3A_294 = tpu.memref_slice %arg6[%run_scoped3A_266, %dma_wait3A_292, %dma_wait3A_293] : memref<8x8x1024xf32, #tpu.memory_space<vmem>> -> memref<1x8x1024xf32, #tpu.memory_space<vmem>>
      %dma_wait3A_295 = tpu.memref_squeeze %dma_wait3A_294 : memref<1x8x1024xf32, #tpu.memory_space<vmem>> -> memref<8x1024xf32, #tpu.memory_space<vmem>>
      tpu.wait_dma2 semaphore(%run_scoped3A_267 : memref<!tpu.dma_semaphore, #tpu.memory_space<semaphore_mem>>) src(%dma_wait3A_295 : memref<8x1024xf32, #tpu.memory_space<vmem>>) dst(%dma_wait3A_291 : memref<8x1024xf32, #tpu.memory_space<hbm>>)
      tpu.yield
    }) : () -> ()
    return
  }
}

</mosaic_0001>

<sc_bundles>
// kernel: kernel.3.cloned.1.call-start
scs
__scs_entry_jumppad:
0x0: {  	(pc) =	sbr.rel $0x88, $3  }
0x1: {  	(tag) =	ssettag $0x0;
	lr =	simm.s32 $0x1  }
0x2: {  	[smem:$0x3F9F] =	sst lr;
	_ =	strace $0xD0000000  }
0x3: {  	_ = 	snop  }
0x4: {  	_ = 	snop  }
0x5: {  	_ = 	snop  }
0x6: {  	_ = 	snop  }
0x7: {  	_ = 	snop  }
__scs_overlays_trampoline_lowered:
0x8: {  	[smem:$0x3FAE] =	sst s0  }
0x9: {  	[smem:$0x3FAF] =	sst s1  }
0xa: {  	[smem:$0x3FB0] =	sst s2  }
0xb: {  	[smem:$0x3FB1] =	sst s3  }
0xc: {  	[smem:$0x3FB2] =	sst s4  }
0xd: {  	[smem:$0x3FB3] =	sst s5  }
0xe: {  	[smem:$0x3FB4] =	sst s6  }
0xf: {  	[smem:$0x3FB5] =	sst s7  }
0x10: {  	[smem:$0x3FB6] =	sst s8  }
0x11: {  	[smem:$0x3FB7] =	sst s9;
	s0 =	simm.s32 @!p0 $0x0  }
0x12: {  	s1 =	sld [smem:$0x3F9D];
	s0 =	simm.s32 @p0 $0x1  }
0x13: {  	[smem:$0x3FB8] =	sst s0;
	s0 =	simm.s32 @!p1 $0x0  }
0x14: {  	s2 =	sld [smem:$0x3F9C];
	s0 =	simm.s32 @p1 $0x1  }
0x15: {  	[smem:$0x3FB9] =	sst s0;
	s0 =	simm.s32 @!p2 $0x0  }
0x16: {  	s3 =	sld [smem:$0x3FDB];
	s0 =	simm.s32 @p2 $0x1  }
0x17: {  	s4 =	simm.s32 $0x1BF5;
	[smem:$0x3FBB] =	sst s0  }
0x18: {  	s0 =	sld [smem:$0x3F9E];
	_ =	swait.ge [sflag:s4], $0x0  }
0x19: {  	s7 =	sld [smem:$0x3F9F]  }
0x1a: {  	s8 =	sadd.s32 $0xFFFFE003, lr  }
0x1b: {  	s9 =	sadd.s32 $0xFFFFFEF7, lr;
	s5 =	simm.s32 $0xFFFFFFFF;
	p2 =	slt.u32 s8, $0xFFFFF086  }
0x1c: {  	p1 =	slt.u32 s9, $0xF7A;
	s5 =	simm.s32 @!p2 $0x0  }
0x1d: {  	s5 =	simm.s32 @p1 $0x1;
	p0 =	seq.s32 s7, s2  }
0x1e: {  	s7 =	smul.u32 @!p0 $0xF7A, s2;
	p2 =	seq.s32 @!p0 s5, $0x0  }
0x1f: {  	s9 =	smul.u32 $0xF7A, s1;
	s8 =	simm.s32 @!p0 $0x1BF5;
	p2 =	por !p2, p0  }
0x20: {  	[sflag:s8] =	ssyncset.s32 @!p0 $0xFFFFF086;
	s6 =	sadd.s32 @!p0 s3, s7;
	s7 =	simm.s32 @!p0 $0x108  }
0x21: {  	s3 =	sadd.s32 s3, s9;
	s6 =	sadd.s32 @!p0 $0x88, s6;
	s7 =	simm.s32 @p2 $0x1082  }
0x22: {  	[simem:s7], [sflag:s8] =	dma.local @!p0 [hbm:s6], $0xF7A  }
0x23: {  	s9 =	sor.u32 $0xD0000000, s2;
	s6 =	simm.s32 $0x108;
	_ =	swait.ge @!p0 [sflag:s8], $0x0  }
0x24: {  	s3 =	sadd.s32 $0x88, s3;
	s6 =	simm.s32 @!p1 $0x1082;
	[sflag:s4] =	ssyncset.s32 $0xFFFFF086  }
0x25: {  	[simem:s6], [sflag:s4] =	dma.local [hbm:s3], $0xF7A  }
0x26: {  	[smem:$0x3F9F] =	sst s1;
	(tag) =	ssettag s2;
	_ =	strace s9  }
0x27: {  	s1 =	sld [smem:$0x3FAF]  }
0x28: {  	s2 =	sld [smem:$0x3FB0]  }
0x29: {  	s4 =	sld [smem:$0x3FB2]  }
0x2a: {  	p0 =	seq.s32 s5, $0x0;
	s5 =	sld [smem:$0x3FB3]  }
0x2b: {  	s6 =	sld [smem:$0x3FB4]  }
0x2c: {  	s7 =	sld [smem:$0x3FB5]  }
0x2d: {  	s3 =	simm.s32 $0x108;
	s8 =	sld [smem:$0x3FB6]  }
0x2e: {  	s3 =	simm.s32 @!p0 $0x1082;
	s9 =	sld [smem:$0x3FB7]  }
0x2f: {  	lr =	sadd.s32 s0, s3;
	s0 =	sld [smem:$0x3FAE]  }
0x30: {  	s3 =	sld [smem:$0x3FB1]  }
0x31: {  	[smem:$0x3FBA] =	sst s10  }
0x32: {  	s10 =	sld [smem:$0x3FB8];
	_ =	sdelay $0x3  }
0x33: {  	p0 =	seq.s32 s10, $0x1;
	s10 =	sld [smem:$0x3FBA];
	_ =	sdelay $0x3  }
0x34: {  	[smem:$0x3FBA] =	sst s10  }
0x35: {  	s10 =	sld [smem:$0x3FB9];
	_ =	sdelay $0x3  }
0x36: {  	p1 =	seq.s32 s10, $0x1;
	s10 =	sld [smem:$0x3FBA];
	_ =	sdelay $0x3  }
0x37: {  	[smem:$0x3FBA] =	sst s10  }
0x38: {  	s10 =	sld [smem:$0x3FBB]  }
0x39: {  	_ = 	snop;
	(pc) =	sbr.ind lr, $3  }
0x3a: {  	_ = 	snop  }
0x3b: {  	_ = 	snop  }
0x3c: {  	p2 =	seq.s32 s10, $0x1;
	s10 =	sld [smem:$0x3FBA]  }
0x3d: {  	_ =	shalt  }
0x3e: {  	_ =	shalt  }
0x3f: {  	_ =	shalt  }
0x40: {  	_ =	shalt  }
0x41: {  	_ =	shalt  }
0x42: {  	_ =	shalt  }
0x43: {  	_ =	shalt  }
0x44: {  	_ =	shalt  }
0x45: {  	_ =	shalt  }
0x46: {  	_ =	shalt  }
0x47: {  	_ =	shalt  }
0x48: {  	_ =	shalt  }
0x49: {  	_ =	shalt  }
0x4a: {  	_ =	shalt  }
0x4b: {  	_ =	shalt  }
0x4c: {  	_ =	shalt  }
0x4d: {  	_ =	shalt  }
0x4e: {  	_ =	shalt  }
0x4f: {  	_ =	shalt  }
0x50: {  	_ =	shalt  }
0x51: {  	_ =	shalt  }
0x52: {  	_ =	shalt  }
0x53: {  	_ =	shalt  }
0x54: {  	_ =	shalt  }
0x55: {  	_ =	shalt  }
0x56: {  	_ =	shalt  }
0x57: {  	_ =	shalt  }
0x58: {  	_ =	shalt  }
0x59: {  	_ =	shalt  }
0x5a: {  	_ =	shalt  }
0x5b: {  	_ =	shalt  }
0x5c: {  	_ =	shalt  }
0x5d: {  	_ =	shalt  }
0x5e: {  	_ =	shalt  }
0x5f: {  	_ =	shalt  }
0x60: {  	_ =	shalt  }
0x61: {  	_ =	shalt  }
0x62: {  	_ =	shalt  }
0x63: {  	_ =	shalt  }
0x64: {  	_ =	shalt  }
0x65: {  	_ =	shalt  }
0x66: {  	_ =	shalt  }
0x67: {  	_ =	shalt  }
0x68: {  	_ =	shalt  }
0x69: {  	_ =	shalt  }
0x6a: {  	_ =	shalt  }
0x6b: {  	_ =	shalt  }
0x6c: {  	_ =	shalt  }
0x6d: {  	_ =	shalt  }
0x6e: {  	_ =	shalt  }
0x6f: {  	_ =	shalt  }
0x70: {  	_ =	shalt  }
0x71: {  	_ =	shalt  }
0x72: {  	_ =	shalt  }
0x73: {  	_ =	shalt  }
0x74: {  	_ =	shalt  }
0x75: {  	_ =	shalt  }
0x76: {  	_ =	shalt  }
0x77: {  	_ =	shalt  }
0x78: {  	_ =	shalt  }
0x79: {  	_ =	shalt  }
0x7a: {  	_ =	shalt  }
0x7b: {  	_ =	shalt  }
0x7c: {  	_ =	shalt  }
0x7d: {  	_ =	shalt  }
0x7e: {  	_ =	shalt  }
0x7f: {  	_ =	shalt  }
0x80: {  	_ =	shalt  }
0x81: {  	_ =	shalt  }
0x82: {  	_ =	shalt  }
0x83: {  	_ =	shalt  }
0x84: {  	_ =	shalt  }
0x85: {  	_ =	shalt  }
0x86: {  	_ =	shalt  }
0x87: {  	_ =	shalt  }
.Lfunc_end0:
.L_simem_size_0:
called_computation_lowered:
.L_overlay_start_0:
0x88: {  	s2 =	sld [smem:$0x3FD9]  }
0x89: {  	s3 =	sld [smem:$0x3FFE];
	_ =	sdelay $0x1  }
0x8a: {  	s1 =	srdreg.scid  }
0x8b: {  	s0 =	sand.u32 $0x1, s1  }
0x8c: {  	s18 =	sshll.u32 s0, $0xA;
	s2 =	sadd.s32 s3, s2  }
0x8d: {  	s2 =	sadd.s32 s2, s18  }
0x8e: {  	[smem:$0x3FC6] =	sst s2  }
0x8f: {  	_ = 	snop  }
0x90: {  	s2 =	sld [smem:$0x3FC9]  }
0x91: {  	s19 =	sld [smem:$0x3FC8]  }
0x92: {  	s4 =	sld [smem:$0x3FD0];
	(tm) =	ssettm $0x1  }
0x93: {  	s5 =	sld [smem:$0x3FFB];
	_ =	sdelay $0x3  }
0x94: {  	_ =	strace s5  }
0x95: {  	s5 =	sld [smem:$0x3FFC];
	_ =	sdelay $0x3  }
0x96: {  	_ =	strace s5  }
0x97: {  	s5 =	sld [smem:$0x3FFD];
	_ =	sdelay $0x3  }
0x98: {  	_ =	strace s5  }
0x99: {  	_ =	strace $0x8FFFFFFF  }
0x9a: {  	s20 =	sld [smem:$0x3FDB];
	_ =	sdelay $0x1  }
0x9b: {  	s6 =	simm.s32 $_scs_section_size  }
0x9c: {  	s7 =	simm.s32 $_size__tile_overlayer_lowered;
	s8 =	simm.s32 $_tile_overlayer_lowered  }
0x9d: {  	s23 =	simm.s32 $0x1BFF;
	s22 =	sshll.u32 s8, $0x1;
	s5 =	sadd.s32 s6, s20  }
0x9e: {  	s9 =	simm.s32 $0x0;
	s21 =	sshll.u32 s7, $0x1;
	s7 =	sadd.s32 s22, s5  }
0x9f: {  	[timem:s9], [sflag:s23] =	dma.local [hbm:s7], s21  }
0xa0: {  	_ =	swait.ge [sflag:s23], s21  }
0xa1: {  	s6 =	ssub.s32 $0x0, s21;
	[sflag:s23] =	ssyncset.done $0x0  }
0xa2: {  	[sflag:s23] =	ssyncadd.s32 s6;
	_ =	sdelay $0x1  }
0xa3: {  	s24 =	simm.s32 $0x1B8B  }
0xa4: {  	_ =	swait.ge [sflag:s24], $0x1  }
0xa5: {  	[sflag:s24] =	ssyncset.done $0x0  }
0xa6: {  	s25 =	simm.s32 $0x1B8E;
	[sflag:s24] =	ssyncadd.s32 $0xFFFFFFFF  }
0xa7: {  	s26 =	simm.s32 $execute0_lowered;
	[smem:$0x3FD2] =	sst s25  }
0xa8: {  	s6 =	sshll.u32 s26, $0x1;
	_ =	strace $0x80000046;
	[dreg:$0x1] =	wrdreg $0xFFFFFFFF  }
0xa9: {  	s28 =	simm.s32 $_size_execute0_lowered;
	s5 =	sadd.s32 s5, s6;
	[dreg:$0x0] =	wrdreg $0x0  }
0xaa: {  	s6 =	sshll.u32 s28, $0x1;
	[dreg:$0x2] =	wrdreg s5  }
0xab: {  	[dreg:$0x3] =	wrdreg s6  }
0xac: {  	[dreg:$0x4] =	wrdreg $0xC0  }
0xad: {  	_ =	task [dreg:s9], $0x5FFFF  }
0xae: {  	[dreg:$0x1] =	wrdreg $0xFFFFFFFF  }
0xaf: {  	[dreg:$0x0] =	wrdreg $0x60  }
0xb0: {  	[dreg:$0x2] =	wrdreg s19  }
0xb1: {  	[dreg:$0x3] =	wrdreg s2  }
0xb2: {  	[dreg:$0x4] =	wrdreg s4  }
0xb3: {  	[dreg:$0x5] =	wrdreg $0x9  }
0xb4: {  	_ =	task.clear_ibuf [dreg:s9], $0x6FFFF;
	_ =	strace $0x90000046  }
0xb5: {  	s29 =	simm.s32 $0x9;
	_ =	strace $0x80000048  }
0xb6: {  	_ =	swait.ge [sflag:s29], $0x1  }
0xb7: {  	[sflag:s29] =	ssyncadd.s32 $0xFFFFFFFF  }
0xb8: {  	_ =	strace $0x90000048  }
0xb9: {  	_ =	sfence  }
0xba: {  	s30 =	sld [smem:$0x0];
	_ =	sdelay $0x2  }
0xbb: {  	s31 =	sshll.u32 s1, $0xD;
	s1 =	sshrl.u32 s1, $0x2  }
0xbc: {  	s3 =	sand.u32 $0x4000, s31;
	s1 =	sadd.s32 s1, s30  }
0xbd: {  	s0 =	sor.u32 s3, s0;
	s1 =	sshll.u32 s1, $0x11  }
0xbe: {  	s0 =	sor.u32 s1, s0  }
0xbf: {  	s0 =	sadd.s32 $0x8F2B, s0  }
0xc0: {  	[sflag:s0] =	ssyncadd.remote.s32 $0x1  }
0xc1: {  	_ =	sfence.sel $0xFFFF  }
0xc2: {  	[dreg:$0x0] =	wrdreg $0xFFFFFFFF;
	(pc) =	sbr.abs _section_cstart, $3  }
0xc3: {  	[dreg:$0x1] =	wrdreg $0xFFFFFFFF  }
0xc4: {  	_ =	task.clear_ibuf [dreg:s9], $0x2FFFF;
	_ =	strace $0x9FFFFFFF  }
0xc5: {  	(tm) =	ssettm $0x7FFFFFFF  }
tec
execute0_lowered:
.L_overlay_start_1:
0x0: {  	(tag) =	ssettag $0x1  }
0x1: {  	s1 =	rddreg [dreg:$0x0]  }
0x2: {  	s2 =	rddreg [dreg:$0x1]  }
0x3: {  	s0 =	rddreg [dreg:$0x2];
	s3 =	simm.s32 $0x0;
	s4 =	srdreg.scid  }
0x4: {  	s10 =	stileid.u32;
	s29 =	simm.s32 $0x4400;
	s31 =	simm.s32 $0x1  }
0x5: {  	s28 =	simm.s32 $0xF400;
	s30 =	simm.s32 $0xFC00;
	[smem:$0x7FF] =	sst s3  }
0x6: {  	s4 =	sand.u32 $0x1, s4;
	s5 =	sshll.u32 s10, $0x1;
	s8 =	sshrl.u32 s10, $0x2  }
0x7: {  	s10 =	sand.u32 $0x3, s10;
	_ =	strace $0x80000047;
	s6 =	ssub.s32 $0x2, s4  }
0x8: {  	s5 =	sand.u32 $0x6, s5;
	s17 =	sshll.u32 s8, $0x4;
	s8 =	sshll.u32 s8, $0x17  }
0x9: {  	s10 =	sshll.u32 s10, $0x15;
	s7 =	sshrl.u32 s6, $0x1;
	s5 =	sor.u32 s4, s5  }
0xa: {  	s2 =	sadd.s32 s2, s17;
	s4 =	sshll.u32 s4, $0x14;
	s9 =	ssub.s32 s6, s7  }
0xb: {  	s16 =	sshll.u32 s5, $0x9;
	s18 =	sshll.u32 s5, $0x14;
	s5 =	sadd.s32 $0x100, s1  }
0xc: {  	s6 =	sadd.s32 $0x200, s1;
	s2 =	sadd.s32 s16, s2;
	s19 =	sor.u32 s8, s18  }
0xd: {  	s8 =	sor.u32 s10, s8;
	[dreg:$0xc] =	wrdreg s2;
	s2 =	sshrl.u32 s19, $0x3  }
0xe: {  	s7 =	sadd.s32 $0x300, s1;
	s4 =	sor.u32 s4, s8;
	s2 =	sadd.s32 s2, s0  }
0xf: {  	s10 =	simm.s32 $0x7;
	s24 =	sor.u32 $0xE000, s4;
	s11 =	sadd.s32 $0x1E000, s2  }
0x10: {  	s12 =	sor.u32 $0xC000, s4;
	s20 =	sadd.s32 $0x1E400, s2;
	[dreg:$0xd] =	wrdreg s11  }
0x11: {  	s14 =	sor.u32 $0xA000, s4;
	s21 =	sadd.s32 $0x1E800, s2;
	[dreg:$0xe] =	wrdreg s20  }
0x12: {  	s15 =	sor.u32 $0x8000, s4;
	s22 =	sadd.s32 $0x1EC00, s2;
	[dreg:$0xf] =	wrdreg s21  }
0x13: {  	s19 =	sor.u32 $0x6000, s4;
	s23 =	sadd.s32 $0x1F000, s2;
	[dreg:$0x10] =	wrdreg s22  }
0x14: {  	s25 =	sadd.s32 $0x1F400, s2;
	s26 =	sadd.s32 $0x1F800, s2;
	[dreg:$0x11] =	wrdreg s23  }
0x15: {  	s8 =	sshrl.u32 s24, $0x3;
	s2 =	sadd.s32 $0x1FC00, s2;
	[dreg:$0x12] =	wrdreg s25  }
0x16: {  	s13 =	sshrl.u32 s12, $0x3;
	s17 =	sshrl.u32 s15, $0x3;
	[dreg:$0x13] =	wrdreg s26  }
0x17: {  	s12 =	simm.s32 $0xA400;
	[dreg:$0x14] =	wrdreg s2;
	s11 =	sadd.s32 s8, s0  }
0x18: {  	s2 =	sadd.s32 s13, s0;
	s8 =	sshrl.u32 s14, $0x3;
	s18 =	sadd.s32 s17, s0  }
0x19: {  	s20 =	sshrl.u32 s19, $0x3;
	s21 =	sor.u32 $0x4000, s4;
	s22 =	sor.u32 $0x2000, s4  }
0x1a: {  	s4 =	sshrl.u32 s4, $0x3;
	s26 =	smax.u32 s9, $0x1;
	s19 =	simm.s32 $0x9  }
0x1b: {  	s17 =	simm.s32 $0x3;
	s9 =	simm.s32 $0x6;
	[dreg:$0x4] =	wrdreg s11  }
0x1c: {  	s14 =	simm.s32 $0x0;
	[dreg:$0x5] =	wrdreg s2;
	s16 =	sadd.s32 s8, s0  }
0x1d: {  	[dreg:$0x7] =	wrdreg s18;
	s2 =	sadd.s32 s20, s0;
	s8 =	sshrl.u32 s21, $0x3  }
0x1e: {  	s24 =	sshrl.u32 s22, $0x3;
	[dreg:$0x15] =	wrdreg s26;
	s20 =	simm.s32 $0x400  }
0x1f: {  	s18 =	simm.s32 $0x4;
	s11 =	simm.s32 $0x8;
	s21 =	simm.s32 $0xCC00  }
0x20: {  	s22 =	simm.s32 $0xD400;
	s26 =	simm.s32 $0xEC00;
	[dreg:$0x6] =	wrdreg s16  }
0x21: {  	[dreg:$0x8] =	wrdreg s2;
	s23 =	sadd.s32 s8, s0;
	s25 =	sadd.s32 s24, s0  }
0x22: {  	s0 =	sadd.s32 s4, s0;
	s24 =	simm.s32 $0x2400;
	[dreg:$0x9] =	wrdreg s23  }
0x23: {  	v0 =	vlaneseq.u32;
	s2 =	simm.s32 $0x6400;
	s8 =	simm.s32 $0x8400;
	[dreg:$0xa] =	wrdreg s25  }
0x24: {  	v1 =	vshrl.u32 v0, $0x3;
	s16 =	simm.s32 $0xC400;
	s4 =	simm.s32 $0x5;
	[dreg:$0xb] =	wrdreg s0  }
0x25: {  	vm0 =	vmmov $0xffff;
	v0 =	vand.u32 $0x7, v0;
	v1 =	vmul.u32 $0x8, v1;
	s25 =	simm.s32 $0xE400;
	s0 =	simm.s32 $0x2;
	s23 =	simm.s32 $0xDC00  }
.LBB2_1:
0x26: {  	[dreg:$0x16] =	wrdreg s14  }
0x27: {  	s13 =	rddreg [dreg:$0xc];
	s14 =	simm.s32 $0x80;
	s15 =	simm.s32 $0x200  }
0x28: {  	[tilespmem:s3], [sflag:$0x9] =	stream.strided.gather [hbm4b:s13+s14], $0x400, s15, s14, $0x38;
	[tilespmem:$0x10400] =	vst v63  }
0x29: {  	_ =	swait.ge [sflag:s19], $0x400  }
0x2a: {  	[sflag:s19] =	ssyncset.done $0x0  }
0x2b: {  	[sflag:s19] =	ssyncadd.s32 $0xFFFFFC00  }
0x2c: {  	v2 =	vld.msk [tilespmem:$0x0], $0xff;
	_ =	sdelay $0x4  }
0x2d: {  	v3 =	vshll.u32 v2, $0x3  }
0x2e: {  	v2 =	vand.u32 $0x7, v2;
	v3 =	vand.u32 $0xFFFFFFC0, v3  }
0x2f: {  	v2 =	vor.u32 v2, v3  }
0x30: {  	v2 =	vperm.xlane v2, v0;
	_ =	sdelay $0x1  }
0x31: {  	v2 =	vadd.s32 v1, v2;
	_ =	sdelay $0x4  }
0x32: {  	[tilespmem:s20], [sflag:$0x1] =	stream.indirect_vreg.gather [hbm4b:s1+s3], $0x80, v2, vm0, $0xb8;
	[tilespmem:$0x10400] =	vst v63  }
0x33: {  	s14 =	simm.s32 $0xC00  }
0x34: {  	[tilespmem:s14], [sflag:$0x1] =	stream.indirect_vreg.gather [hbm4b:s5+s3], $0x80, v2, vm0, $0xb8;
	[tilespmem:$0x10400] =	vst v63  }
0x35: {  	s15 =	simm.s32 $0x1400  }
0x36: {  	[tilespmem:s15], [sflag:$0x1] =	stream.indirect_vreg.gather [hbm4b:s6+s3], $0x80, v2, vm0, $0xb8;
	[tilespmem:$0x10400] =	vst v63  }
0x37: {  	s14 =	simm.s32 $0x1C00  }
0x38: {  	[tilespmem:s14], [sflag:$0x1] =	stream.indirect_vreg.gather [hbm4b:s7+s3], $0x80, v2, vm0, $0xb8;
	[tilespmem:$0x10400] =	vst v63  }
0x39: {  	v2 =	vld.msk [tilespmem:$0x8], $0xff;
	_ =	sdelay $0x4  }
0x3a: {  	v3 =	vshll.u32 v2, $0x3  }
0x3b: {  	v2 =	vand.u32 $0x7, v2;
	v3 =	vand.u32 $0xFFFFFFC0, v3  }
0x3c: {  	v2 =	vor.u32 v2, v3  }
0x3d: {  	v2 =	vperm.xlane v2, v0;
	_ =	sdelay $0x1  }
0x3e: {  	v2 =	vadd.s32 v1, v2;
	_ =	sdelay $0x4  }
0x3f: {  	[tilespmem:s24], [sflag:$0x2] =	stream.indirect_vreg.gather [hbm4b:s1+s3], $0x80, v2, vm0, $0xb8;
	[tilespmem:$0x10400] =	vst v63  }
0x40: {  	s15 =	simm.s32 $0x2C00  }
0x41: {  	[tilespmem:s15], [sflag:$0x2] =	stream.indirect_vreg.gather [hbm4b:s5+s3], $0x80, v2, vm0, $0xb8;
	[tilespmem:$0x10400] =	vst v63  }
0x42: {  	s14 =	simm.s32 $0x3400  }
0x43: {  	[tilespmem:s14], [sflag:$0x2] =	stream.indirect_vreg.gather [hbm4b:s6+s3], $0x80, v2, vm0, $0xb8;
	[tilespmem:$0x10400] =	vst v63  }
0x44: {  	s15 =	simm.s32 $0x3C00  }
0x45: {  	[tilespmem:s15], [sflag:$0x2] =	stream.indirect_vreg.gather [hbm4b:s7+s3], $0x80, v2, vm0, $0xb8;
	[tilespmem:$0x10400] =	vst v63  }
0x46: {  	v2 =	vld.msk [tilespmem:$0x10], $0xff;
	_ =	sdelay $0x4  }
0x47: {  	v3 =	vshll.u32 v2, $0x3  }
0x48: {  	v2 =	vand.u32 $0x7, v2;
	v3 =	vand.u32 $0xFFFFFFC0, v3  }
0x49: {  	v2 =	vor.u32 v2, v3  }
0x4a: {  	v2 =	vperm.xlane v2, v0;
	_ =	sdelay $0x1  }
0x4b: {  	v2 =	vadd.s32 v1, v2;
	_ =	sdelay $0x4  }
0x4c: {  	[tilespmem:s29], [sflag:$0x3] =	stream.indirect_vreg.gather [hbm4b:s1+s3], $0x80, v2, vm0, $0xb8;
	[tilespmem:$0x10400] =	vst v63  }
0x4d: {  	s14 =	simm.s32 $0x4C00  }
0x4e: {  	[tilespmem:s14], [sflag:$0x3] =	stream.indirect_vreg.gather [hbm4b:s5+s3], $0x80, v2, vm0, $0xb8;
	[tilespmem:$0x10400] =	vst v63  }
0x4f: {  	s15 =	simm.s32 $0x5400  }
0x50: {  	[tilespmem:s15], [sflag:$0x3] =	stream.indirect_vreg.gather [hbm4b:s6+s3], $0x80, v2, vm0, $0xb8;
	[tilespmem:$0x10400] =	vst v63  }
0x51: {  	s14 =	simm.s32 $0x5C00  }
0x52: {  	[tilespmem:s14], [sflag:$0x3] =	stream.indirect_vreg.gather [hbm4b:s7+s3], $0x80, v2, vm0, $0xb8;
	[tilespmem:$0x10400] =	vst v63  }
0x53: {  	v2 =	vld.msk [tilespmem:$0x18], $0xff;
	_ =	sdelay $0x4  }
0x54: {  	v3 =	vshll.u32 v2, $0x3  }
0x55: {  	v2 =	vand.u32 $0x7, v2;
	v3 =	vand.u32 $0xFFFFFFC0, v3  }
0x56: {  	v2 =	vor.u32 v2, v3  }
0x57: {  	v2 =	vperm.xlane v2, v0;
	_ =	sdelay $0x1  }
0x58: {  	v2 =	vadd.s32 v1, v2;
	_ =	sdelay $0x4  }
0x59: {  	[tilespmem:s2], [sflag:$0x4] =	stream.indirect_vreg.gather [hbm4b:s1+s3], $0x80, v2, vm0, $0xb8;
	[tilespmem:$0x10400] =	vst v63  }
0x5a: {  	s15 =	simm.s32 $0x6C00  }
0x5b: {  	[tilespmem:s15], [sflag:$0x4] =	stream.indirect_vreg.gather [hbm4b:s5+s3], $0x80, v2, vm0, $0xb8;
	[tilespmem:$0x10400] =	vst v63  }
0x5c: {  	s14 =	simm.s32 $0x7400  }
0x5d: {  	[tilespmem:s14], [sflag:$0x4] =	stream.indirect_vreg.gather [hbm4b:s6+s3], $0x80, v2, vm0, $0xb8;
	[tilespmem:$0x10400] =	vst v63  }
0x5e: {  	s15 =	simm.s32 $0x7C00  }
0x5f: {  	[tilespmem:s15], [sflag:$0x4] =	stream.indirect_vreg.gather [hbm4b:s7+s3], $0x80, v2, vm0, $0xb8;
	[tilespmem:$0x10400] =	vst v63  }
0x60: {  	v2 =	vld.msk [tilespmem:$0x20], $0xff;
	_ =	sdelay $0x4  }
0x61: {  	v3 =	vshll.u32 v2, $0x3  }
0x62: {  	v2 =	vand.u32 $0x7, v2;
	v3 =	vand.u32 $0xFFFFFFC0, v3  }
0x63: {  	v2 =	vor.u32 v2, v3  }
0x64: {  	v2 =	vperm.xlane v2, v0;
	_ =	sdelay $0x1  }
0x65: {  	v2 =	vadd.s32 v1, v2;
	_ =	sdelay $0x4  }
0x66: {  	[tilespmem:s8], [sflag:$0x5] =	stream.indirect_vreg.gather [hbm4b:s1+s3], $0x80, v2, vm0, $0xb8;
	[tilespmem:$0x10400] =	vst v63  }
0x67: {  	s14 =	simm.s32 $0x8C00  }
0x68: {  	[tilespmem:s14], [sflag:$0x5] =	stream.indirect_vreg.gather [hbm4b:s5+s3], $0x80, v2, vm0, $0xb8;
	[tilespmem:$0x10400] =	vst v63  }
0x69: {  	s15 =	simm.s32 $0x9400  }
0x6a: {  	[tilespmem:s15], [sflag:$0x5] =	stream.indirect_vreg.gather [hbm4b:s6+s3], $0x80, v2, vm0, $0xb8;
	[tilespmem:$0x10400] =	vst v63  }
0x6b: {  	s14 =	simm.s32 $0x9C00  }
0x6c: {  	[tilespmem:s14], [sflag:$0x5] =	stream.indirect_vreg.gather [hbm4b:s7+s3], $0x80, v2, vm0, $0xb8;
	[tilespmem:$0x10400] =	vst v63  }
0x6d: {  	v2 =	vld.msk [tilespmem:$0x28], $0xff;
	_ =	sdelay $0x4  }
0x6e: {  	v3 =	vshll.u32 v2, $0x3  }
0x6f: {  	v2 =	vand.u32 $0x7, v2;
	v3 =	vand.u32 $0xFFFFFFC0, v3  }
0x70: {  	v2 =	vor.u32 v2, v3  }
0x71: {  	v2 =	vperm.xlane v2, v0;
	_ =	sdelay $0x1  }
0x72: {  	v2 =	vadd.s32 v1, v2;
	_ =	sdelay $0x4  }
0x73: {  	[tilespmem:s12], [sflag:$0x6] =	stream.indirect_vreg.gather [hbm4b:s1+s3], $0x80, v2, vm0, $0xb8;
	[tilespmem:$0x10400] =	vst v63  }
0x74: {  	s15 =	simm.s32 $0xAC00  }
0x75: {  	[tilespmem:s15], [sflag:$0x6] =	stream.indirect_vreg.gather [hbm4b:s5+s3], $0x80, v2, vm0, $0xb8;
	[tilespmem:$0x10400] =	vst v63  }
0x76: {  	s14 =	simm.s32 $0xB400  }
0x77: {  	[tilespmem:s14], [sflag:$0x6] =	stream.indirect_vreg.gather [hbm4b:s6+s3], $0x80, v2, vm0, $0xb8;
	[tilespmem:$0x10400] =	vst v63  }
0x78: {  	s15 =	simm.s32 $0xBC00  }
0x79: {  	[tilespmem:s15], [sflag:$0x6] =	stream.indirect_vreg.gather [hbm4b:s7+s3], $0x80, v2, vm0, $0xb8;
	[tilespmem:$0x10400] =	vst v63  }
0x7a: {  	v2 =	vld.msk [tilespmem:$0x30], $0xff;
	_ =	sdelay $0x4  }
0x7b: {  	v3 =	vshll.u32 v2, $0x3  }
0x7c: {  	v2 =	vand.u32 $0x7, v2;
	v3 =	vand.u32 $0xFFFFFFC0, v3  }
0x7d: {  	v2 =	vor.u32 v2, v3  }
0x7e: {  	v2 =	vperm.xlane v2, v0;
	_ =	sdelay $0x1  }
0x7f: {  	v2 =	vadd.s32 v1, v2;
	_ =	sdelay $0x4  }
0x80: {  	[tilespmem:s16], [sflag:$0x7] =	stream.indirect_vreg.gather [hbm4b:s1+s3], $0x80, v2, vm0, $0xb8;
	[tilespmem:$0x10400] =	vst v63  }
0x81: {  	_ = 	snop  }
0x82: {  	[tilespmem:s21], [sflag:$0x7] =	stream.indirect_vreg.gather [hbm4b:s5+s3], $0x80, v2, vm0, $0xb8;
	[tilespmem:$0x10400] =	vst v63  }
0x83: {  	_ = 	snop  }
0x84: {  	[tilespmem:s22], [sflag:$0x7] =	stream.indirect_vreg.gather [hbm4b:s6+s3], $0x80, v2, vm0, $0xb8;
	[tilespmem:$0x10400] =	vst v63  }
0x85: {  	_ = 	snop  }
0x86: {  	[tilespmem:s23], [sflag:$0x7] =	stream.indirect_vreg.gather [hbm4b:s7+s3], $0x80, v2, vm0, $0xb8;
	[tilespmem:$0x10400] =	vst v63  }
0x87: {  	v2 =	vld.msk [tilespmem:$0x38], $0xff;
	_ =	sdelay $0x4  }
0x88: {  	v3 =	vshll.u32 v2, $0x3  }
0x89: {  	v2 =	vand.u32 $0x7, v2;
	v3 =	vand.u32 $0xFFFFFFC0, v3  }
0x8a: {  	v2 =	vor.u32 v2, v3  }
0x8b: {  	v2 =	vperm.xlane v2, v0;
	_ =	sdelay $0x1  }
0x8c: {  	v2 =	vadd.s32 v1, v2;
	_ =	sdelay $0x4  }
0x8d: {  	[tilespmem:s25], [sflag:$0x8] =	stream.indirect_vreg.gather [hbm4b:s1+s3], $0x80, v2, vm0, $0xb8;
	[tilespmem:$0x10400] =	vst v63  }
0x8e: {  	_ = 	snop  }
0x8f: {  	[tilespmem:s26], [sflag:$0x8] =	stream.indirect_vreg.gather [hbm4b:s5+s3], $0x80, v2, vm0, $0xb8;
	[tilespmem:$0x10400] =	vst v63  }
0x90: {  	_ = 	snop  }
0x91: {  	[tilespmem:s28], [sflag:$0x8] =	stream.indirect_vreg.gather [hbm4b:s6+s3], $0x80, v2, vm0, $0xb8;
	[tilespmem:$0x10400] =	vst v63  }
0x92: {  	s13 =	simm.s32 $0x78;
	s14 =	simm.s32 $0x0  }
0x93: {  	[tilespmem:s30], [sflag:$0x8] =	stream.indirect_vreg.gather [hbm4b:s7+s3], $0x80, v2, vm0, $0xb8;
	[tilespmem:$0x10400] =	vst v63  }
.LBB2_2:
0x94: {  	_ =	swait.ge [sflag:s31], $0x2000  }
0x95: {  	s15 =	rddreg [dreg:$0xb];
	[sflag:s31] =	ssyncset.done $0x0  }
0x96: {  	[sflag:s31] =	ssyncadd.s32 $0xFFFFE000;
	s15 =	sadd.s32 s14, s15  }
0x97: {  	[hbm4b:s15+s3] =	stream.linear.scatter [tilespmem:s20], [sflag:$0x9], $0x2000, $0x38;
	[tilespmem:$0x10400] =	vst v63  }
0x98: {  	_ =	swait.ge [sflag:s19], $0x2000  }
0x99: {  	[sflag:s19] =	ssyncset.done $0x0  }
0x9a: {  	[sflag:s19] =	ssyncadd.s32 $0xFFFFE000  }
0x9b: {  	v2 =	vld.msk [tilespmem:s13+$0xFFFFFFC8], $0xff;
	_ =	sdelay $0x4  }
0x9c: {  	v3 =	vshll.u32 v2, $0x3  }
0x9d: {  	v2 =	vand.u32 $0x7, v2;
	v3 =	vand.u32 $0xFFFFFFC0, v3  }
0x9e: {  	v2 =	vor.u32 v2, v3  }
0x9f: {  	v2 =	vperm.xlane v2, v0;
	_ =	sdelay $0x1  }
0xa0: {  	v2 =	vadd.s32 v1, v2;
	_ =	sdelay $0x4  }
0xa1: {  	[tilespmem:s20], [sflag:$0x1] =	stream.indirect_vreg.gather [hbm4b:s1+s3], $0x80, v2, vm0, $0xb8;
	[tilespmem:$0x10400] =	vst v63  }
0xa2: {  	s15 =	simm.s32 $0xC00  }
0xa3: {  	[tilespmem:s15], [sflag:$0x1] =	stream.indirect_vreg.gather [hbm4b:s5+s3], $0x80, v2, vm0, $0xb8;
	[tilespmem:$0x10400] =	vst v63  }
0xa4: {  	s15 =	simm.s32 $0x1400  }
0xa5: {  	[tilespmem:s15], [sflag:$0x1] =	stream.indirect_vreg.gather [hbm4b:s6+s3], $0x80, v2, vm0, $0xb8;
	[tilespmem:$0x10400] =	vst v63  }
0xa6: {  	s15 =	simm.s32 $0x1C00  }
0xa7: {  	[tilespmem:s15], [sflag:$0x1] =	stream.indirect_vreg.gather [hbm4b:s7+s3], $0x80, v2, vm0, $0xb8;
	[tilespmem:$0x10400] =	vst v63  }
0xa8: {  	_ =	swait.ge [sflag:s0], $0x2000  }
0xa9: {  	s15 =	rddreg [dreg:$0xa];
	[sflag:s0] =	ssyncset.done $0x0  }
0xaa: {  	[sflag:s0] =	ssyncadd.s32 $0xFFFFE000;
	s15 =	sadd.s32 s14, s15  }
0xab: {  	[hbm4b:s15+s3] =	stream.linear.scatter [tilespmem:s24], [sflag:$0x9], $0x2000, $0x38;
	[tilespmem:$0x10400] =	vst v63  }
0xac: {  	_ =	swait.ge [sflag:s19], $0x2000  }
0xad: {  	[sflag:s19] =	ssyncset.done $0x0  }
0xae: {  	[sflag:s19] =	ssyncadd.s32 $0xFFFFE000  }
0xaf: {  	v2 =	vld.msk [tilespmem:s13+$0xFFFFFFD0], $0xff;
	_ =	sdelay $0x4  }
0xb0: {  	v3 =	vshll.u32 v2, $0x3  }
0xb1: {  	v2 =	vand.u32 $0x7, v2;
	v3 =	vand.u32 $0xFFFFFFC0, v3  }
0xb2: {  	v2 =	vor.u32 v2, v3  }
0xb3: {  	v2 =	vperm.xlane v2, v0;
	_ =	sdelay $0x1  }
0xb4: {  	v2 =	vadd.s32 v1, v2;
	_ =	sdelay $0x4  }
0xb5: {  	[tilespmem:s24], [sflag:$0x2] =	stream.indirect_vreg.gather [hbm4b:s1+s3], $0x80, v2, vm0, $0xb8;
	[tilespmem:$0x10400] =	vst v63  }
0xb6: {  	s15 =	simm.s32 $0x2C00  }
0xb7: {  	[tilespmem:s15], [sflag:$0x2] =	stream.indirect_vreg.gather [hbm4b:s5+s3], $0x80, v2, vm0, $0xb8;
	[tilespmem:$0x10400] =	vst v63  }
0xb8: {  	s15 =	simm.s32 $0x3400  }
0xb9: {  	[tilespmem:s15], [sflag:$0x2] =	stream.indirect_vreg.gather [hbm4b:s6+s3], $0x80, v2, vm0, $0xb8;
	[tilespmem:$0x10400] =	vst v63  }
0xba: {  	s15 =	simm.s32 $0x3C00  }
0xbb: {  	[tilespmem:s15], [sflag:$0x2] =	stream.indirect_vreg.gather [hbm4b:s7+s3], $0x80, v2, vm0, $0xb8;
	[tilespmem:$0x10400] =	vst v63  }
0xbc: {  	_ =	swait.ge [sflag:s17], $0x2000  }
0xbd: {  	s15 =	rddreg [dreg:$0x9];
	[sflag:s17] =	ssyncset.done $0x0  }
0xbe: {  	[sflag:s17] =	ssyncadd.s32 $0xFFFFE000;
	s15 =	sadd.s32 s14, s15  }
0xbf: {  	[hbm4b:s15+s3] =	stream.linear.scatter [tilespmem:s29], [sflag:$0x9], $0x2000, $0x38;
	[tilespmem:$0x10400] =	vst v63  }
0xc0: {  	_ =	swait.ge [sflag:s19], $0x2000  }
0xc1: {  	[sflag:s19] =	ssyncset.done $0x0  }
0xc2: {  	[sflag:s19] =	ssyncadd.s32 $0xFFFFE000  }
0xc3: {  	v2 =	vld.msk [tilespmem:s13+$0xFFFFFFD8], $0xff;
	_ =	sdelay $0x4  }
0xc4: {  	v3 =	vshll.u32 v2, $0x3  }
0xc5: {  	v2 =	vand.u32 $0x7, v2;
	v3 =	vand.u32 $0xFFFFFFC0, v3  }
0xc6: {  	v2 =	vor.u32 v2, v3  }
0xc7: {  	v2 =	vperm.xlane v2, v0;
	_ =	sdelay $0x1  }
0xc8: {  	v2 =	vadd.s32 v1, v2;
	_ =	sdelay $0x4  }
0xc9: {  	[tilespmem:s29], [sflag:$0x3] =	stream.indirect_vreg.gather [hbm4b:s1+s3], $0x80, v2, vm0, $0xb8;
	[tilespmem:$0x10400] =	vst v63  }
0xca: {  	s15 =	simm.s32 $0x4C00  }
0xcb: {  	[tilespmem:s15], [sflag:$0x3] =	stream.indirect_vreg.gather [hbm4b:s5+s3], $0x80, v2, vm0, $0xb8;
	[tilespmem:$0x10400] =	vst v63  }
0xcc: {  	s15 =	simm.s32 $0x5400  }
0xcd: {  	[tilespmem:s15], [sflag:$0x3] =	stream.indirect_vreg.gather [hbm4b:s6+s3], $0x80, v2, vm0, $0xb8;
	[tilespmem:$0x10400] =	vst v63  }
0xce: {  	s15 =	simm.s32 $0x5C00  }
0xcf: {  	[tilespmem:s15], [sflag:$0x3] =	stream.indirect_vreg.gather [hbm4b:s7+s3], $0x80, v2, vm0, $0xb8;
	[tilespmem:$0x10400] =	vst v63  }
0xd0: {  	_ =	swait.ge [sflag:s18], $0x2000  }
0xd1: {  	s15 =	rddreg [dreg:$0x8];
	[sflag:s18] =	ssyncset.done $0x0  }
0xd2: {  	[sflag:s18] =	ssyncadd.s32 $0xFFFFE000;
	s15 =	sadd.s32 s14, s15  }
0xd3: {  	[hbm4b:s15+s3] =	stream.linear.scatter [tilespmem:s2], [sflag:$0x9], $0x2000, $0x38;
	[tilespmem:$0x10400] =	vst v63  }
0xd4: {  	_ =	swait.ge [sflag:s19], $0x2000  }
0xd5: {  	[sflag:s19] =	ssyncset.done $0x0  }
0xd6: {  	[sflag:s19] =	ssyncadd.s32 $0xFFFFE000  }
0xd7: {  	v2 =	vld.msk [tilespmem:s13+$0xFFFFFFE0], $0xff;
	_ =	sdelay $0x4  }
0xd8: {  	v3 =	vshll.u32 v2, $0x3  }
0xd9: {  	v2 =	vand.u32 $0x7, v2;
	v3 =	vand.u32 $0xFFFFFFC0, v3  }
0xda: {  	v2 =	vor.u32 v2, v3  }
0xdb: {  	v2 =	vperm.xlane v2, v0;
	_ =	sdelay $0x1  }
0xdc: {  	v2 =	vadd.s32 v1, v2;
	_ =	sdelay $0x4  }
0xdd: {  	[tilespmem:s2], [sflag:$0x4] =	stream.indirect_vreg.gather [hbm4b:s1+s3], $0x80, v2, vm0, $0xb8;
	[tilespmem:$0x10400] =	vst v63  }
0xde: {  	s15 =	simm.s32 $0x6C00  }
0xdf: {  	[tilespmem:s15], [sflag:$0x4] =	stream.indirect_vreg.gather [hbm4b:s5+s3], $0x80, v2, vm0, $0xb8;
	[tilespmem:$0x10400] =	vst v63  }
0xe0: {  	s15 =	simm.s32 $0x7400  }
0xe1: {  	[tilespmem:s15], [sflag:$0x4] =	stream.indirect_vreg.gather [hbm4b:s6+s3], $0x80, v2, vm0, $0xb8;
	[tilespmem:$0x10400] =	vst v63  }
0xe2: {  	s15 =	simm.s32 $0x7C00  }
0xe3: {  	[tilespmem:s15], [sflag:$0x4] =	stream.indirect_vreg.gather [hbm4b:s7+s3], $0x80, v2, vm0, $0xb8;
	[tilespmem:$0x10400] =	vst v63  }
0xe4: {  	_ =	swait.ge [sflag:s4], $0x2000  }
0xe5: {  	s15 =	rddreg [dreg:$0x7];
	[sflag:s4] =	ssyncset.done $0x0  }
0xe6: {  	[sflag:s4] =	ssyncadd.s32 $0xFFFFE000;
	s15 =	sadd.s32 s14, s15  }
0xe7: {  	[hbm4b:s15+s3] =	stream.linear.scatter [tilespmem:s8], [sflag:$0x9], $0x2000, $0x38;
	[tilespmem:$0x10400] =	vst v63  }
0xe8: {  	_ =	swait.ge [sflag:s19], $0x2000  }
0xe9: {  	[sflag:s19] =	ssyncset.done $0x0  }
0xea: {  	[sflag:s19] =	ssyncadd.s32 $0xFFFFE000  }
0xeb: {  	v2 =	vld.msk [tilespmem:s13+$0xFFFFFFE8], $0xff;
	_ =	sdelay $0x4  }
0xec: {  	v3 =	vshll.u32 v2, $0x3  }
0xed: {  	v2 =	vand.u32 $0x7, v2;
	v3 =	vand.u32 $0xFFFFFFC0, v3  }
0xee: {  	v2 =	vor.u32 v2, v3  }
0xef: {  	v2 =	vperm.xlane v2, v0;
	_ =	sdelay $0x1  }
0xf0: {  	v2 =	vadd.s32 v1, v2;
	_ =	sdelay $0x4  }
0xf1: {  	[tilespmem:s8], [sflag:$0x5] =	stream.indirect_vreg.gather [hbm4b:s1+s3], $0x80, v2, vm0, $0xb8;
	[tilespmem:$0x10400] =	vst v63  }
0xf2: {  	s15 =	simm.s32 $0x8C00  }
0xf3: {  	[tilespmem:s15], [sflag:$0x5] =	stream.indirect_vreg.gather [hbm4b:s5+s3], $0x80, v2, vm0, $0xb8;
	[tilespmem:$0x10400] =	vst v63  }
0xf4: {  	s15 =	simm.s32 $0x9400  }
0xf5: {  	[tilespmem:s15], [sflag:$0x5] =	stream.indirect_vreg.gather [hbm4b:s6+s3], $0x80, v2, vm0, $0xb8;
	[tilespmem:$0x10400] =	vst v63  }
0xf6: {  	s15 =	simm.s32 $0x9C00  }
0xf7: {  	[tilespmem:s15], [sflag:$0x5] =	stream.indirect_vreg.gather [hbm4b:s7+s3], $0x80, v2, vm0, $0xb8;
	[tilespmem:$0x10400] =	vst v63  }
0xf8: {  	_ =	swait.ge [sflag:s9], $0x2000  }
0xf9: {  	s15 =	rddreg [dreg:$0x6];
	[sflag:s9] =	ssyncset.done $0x0  }
0xfa: {  	[sflag:s9] =	ssyncadd.s32 $0xFFFFE000;
	s15 =	sadd.s32 s14, s15  }
0xfb: {  	[hbm4b:s15+s3] =	stream.linear.scatter [tilespmem:s12], [sflag:$0x9], $0x2000, $0x38;
	[tilespmem:$0x10400] =	vst v63  }
0xfc: {  	_ =	swait.ge [sflag:s19], $0x2000  }
0xfd: {  	[sflag:s19] =	ssyncset.done $0x0  }
0xfe: {  	[sflag:s19] =	ssyncadd.s32 $0xFFFFE000  }
0xff: {  	v2 =	vld.msk [tilespmem:s13+$0xFFFFFFF0], $0xff;
	_ =	sdelay $0x4  }
0x100: {  	v3 =	vshll.u32 v2, $0x3  }
0x101: {  	v2 =	vand.u32 $0x7, v2;
	v3 =	vand.u32 $0xFFFFFFC0, v3  }
0x102: {  	v2 =	vor.u32 v2, v3  }
0x103: {  	v2 =	vperm.xlane v2, v0;
	_ =	sdelay $0x1  }
0x104: {  	v2 =	vadd.s32 v1, v2;
	_ =	sdelay $0x4  }
0x105: {  	[tilespmem:s12], [sflag:$0x6] =	stream.indirect_vreg.gather [hbm4b:s1+s3], $0x80, v2, vm0, $0xb8;
	[tilespmem:$0x10400] =	vst v63  }
0x106: {  	s15 =	simm.s32 $0xAC00  }
0x107: {  	[tilespmem:s15], [sflag:$0x6] =	stream.indirect_vreg.gather [hbm4b:s5+s3], $0x80, v2, vm0, $0xb8;
	[tilespmem:$0x10400] =	vst v63  }
0x108: {  	s15 =	simm.s32 $0xB400  }
0x109: {  	[tilespmem:s15], [sflag:$0x6] =	stream.indirect_vreg.gather [hbm4b:s6+s3], $0x80, v2, vm0, $0xb8;
	[tilespmem:$0x10400] =	vst v63  }
0x10a: {  	s15 =	simm.s32 $0xBC00  }
0x10b: {  	[tilespmem:s15], [sflag:$0x6] =	stream.indirect_vreg.gather [hbm4b:s7+s3], $0x80, v2, vm0, $0xb8;
	[tilespmem:$0x10400] =	vst v63  }
0x10c: {  	_ =	swait.ge [sflag:s10], $0x2000  }
0x10d: {  	s15 =	rddreg [dreg:$0x5];
	[sflag:s10] =	ssyncset.done $0x0  }
0x10e: {  	[sflag:s10] =	ssyncadd.s32 $0xFFFFE000;
	s15 =	sadd.s32 s14, s15  }
0x10f: {  	[hbm4b:s15+s3] =	stream.linear.scatter [tilespmem:s16], [sflag:$0x9], $0x2000, $0x38;
	[tilespmem:$0x10400] =	vst v63  }
0x110: {  	_ =	swait.ge [sflag:s19], $0x2000  }
0x111: {  	[sflag:s19] =	ssyncset.done $0x0  }
0x112: {  	[sflag:s19] =	ssyncadd.s32 $0xFFFFE000  }
0x113: {  	v2 =	vld.msk [tilespmem:s13+$0xFFFFFFF8], $0xff;
	_ =	sdelay $0x4  }
0x114: {  	v3 =	vshll.u32 v2, $0x3  }
0x115: {  	v2 =	vand.u32 $0x7, v2;
	v3 =	vand.u32 $0xFFFFFFC0, v3  }
0x116: {  	v2 =	vor.u32 v2, v3  }
0x117: {  	v2 =	vperm.xlane v2, v0;
	_ =	sdelay $0x1  }
0x118: {  	v2 =	vadd.s32 v1, v2;
	_ =	sdelay $0x4  }
0x119: {  	[tilespmem:s16], [sflag:$0x7] =	stream.indirect_vreg.gather [hbm4b:s1+s3], $0x80, v2, vm0, $0xb8;
	[tilespmem:$0x10400] =	vst v63  }
0x11a: {  	_ = 	snop  }
0x11b: {  	[tilespmem:s21], [sflag:$0x7] =	stream.indirect_vreg.gather [hbm4b:s5+s3], $0x80, v2, vm0, $0xb8;
	[tilespmem:$0x10400] =	vst v63  }
0x11c: {  	_ = 	snop  }
0x11d: {  	[tilespmem:s22], [sflag:$0x7] =	stream.indirect_vreg.gather [hbm4b:s6+s3], $0x80, v2, vm0, $0xb8;
	[tilespmem:$0x10400] =	vst v63  }
0x11e: {  	_ = 	snop  }
0x11f: {  	[tilespmem:s23], [sflag:$0x7] =	stream.indirect_vreg.gather [hbm4b:s7+s3], $0x80, v2, vm0, $0xb8;
	[tilespmem:$0x10400] =	vst v63  }
0x120: {  	_ =	swait.ge [sflag:s11], $0x2000  }
0x121: {  	s15 =	rddreg [dreg:$0x4];
	[sflag:s11] =	ssyncset.done $0x0  }
0x122: {  	[sflag:s11] =	ssyncadd.s32 $0xFFFFE000;
	s15 =	sadd.s32 s14, s15  }
0x123: {  	[hbm4b:s15+s3] =	stream.linear.scatter [tilespmem:s25], [sflag:$0x9], $0x2000, $0x38;
	[tilespmem:$0x10400] =	vst v63  }
0x124: {  	_ =	swait.ge [sflag:s19], $0x2000  }
0x125: {  	[sflag:s19] =	ssyncset.done $0x0  }
0x126: {  	[sflag:s19] =	ssyncadd.s32 $0xFFFFE000  }
0x127: {  	v2 =	vld.msk [tilespmem:s13+$0x0], $0xff;
	_ =	sdelay $0x4  }
0x128: {  	v3 =	vshll.u32 v2, $0x3  }
0x129: {  	v2 =	vand.u32 $0x7, v2;
	v3 =	vand.u32 $0xFFFFFFC0, v3  }
0x12a: {  	v2 =	vor.u32 v2, v3  }
0x12b: {  	v2 =	vperm.xlane v2, v0;
	_ =	sdelay $0x1  }
0x12c: {  	v2 =	vadd.s32 v1, v2;
	_ =	sdelay $0x4  }
0x12d: {  	[tilespmem:s25], [sflag:$0x8] =	stream.indirect_vreg.gather [hbm4b:s1+s3], $0x80, v2, vm0, $0xb8;
	[tilespmem:$0x10400] =	vst v63  }
0x12e: {  	p0 =	sne.s32 s14, $0x1C000  }
0x12f: {  	[tilespmem:s26], [sflag:$0x8] =	stream.indirect_vreg.gather [hbm4b:s5+s3], $0x80, v2, vm0, $0xb8;
	[tilespmem:$0x10400] =	vst v63  }
.Ltmp0:
0x130: {  	_ = 	snop;
	(pc) =	sbr.rel @p0 .LBB2_2-.Ltmp0, $4  }
0x131: {  	_ = 	snop  }
0x132: {  	[tilespmem:s28], [sflag:$0x8] =	stream.indirect_vreg.gather [hbm4b:s6+s3], $0x80, v2, vm0, $0xb8;
	[tilespmem:$0x10400] =	vst v63  }
0x133: {  	s14 =	sadd.s32 $0x2000, s14;
	s13 =	sadd.s32 $0x40, s13  }
0x134: {  	[tilespmem:s30], [sflag:$0x8] =	stream.indirect_vreg.gather [hbm4b:s7+s3], $0x80, v2, vm0, $0xb8;
	[tilespmem:$0x10400] =	vst v63  }
0x135: {  	_ =	swait.ge [sflag:s31], $0x2000  }
0x136: {  	[sflag:s31] =	ssyncset.done $0x0  }
0x137: {  	s13 =	rddreg [dreg:$0xd];
	[sflag:s31] =	ssyncadd.s32 $0xFFFFE000  }
0x138: {  	[hbm4b:s13+s3] =	stream.linear.scatter [tilespmem:s20], [sflag:$0x9], $0x2000, $0x38;
	[tilespmem:$0x10400] =	vst v63  }
0x139: {  	_ =	swait.ge [sflag:s19], $0x2000  }
0x13a: {  	[sflag:s19] =	ssyncset.done $0x0  }
0x13b: {  	[sflag:s19] =	ssyncadd.s32 $0xFFFFE000  }
0x13c: {  	_ =	swait.ge [sflag:s0], $0x2000  }
0x13d: {  	[sflag:s0] =	ssyncset.done $0x0  }
0x13e: {  	s14 =	rddreg [dreg:$0xe];
	[sflag:s0] =	ssyncadd.s32 $0xFFFFE000  }
0x13f: {  	[hbm4b:s14+s3] =	stream.linear.scatter [tilespmem:s24], [sflag:$0x9], $0x2000, $0x38;
	[tilespmem:$0x10400] =	vst v63  }
0x140: {  	_ =	swait.ge [sflag:s19], $0x2000  }
0x141: {  	[sflag:s19] =	ssyncset.done $0x0  }
0x142: {  	[sflag:s19] =	ssyncadd.s32 $0xFFFFE000  }
0x143: {  	_ =	swait.ge [sflag:s17], $0x2000  }
0x144: {  	[sflag:s17] =	ssyncset.done $0x0  }
0x145: {  	s15 =	rddreg [dreg:$0xf];
	[sflag:s17] =	ssyncadd.s32 $0xFFFFE000  }
0x146: {  	[hbm4b:s15+s3] =	stream.linear.scatter [tilespmem:s29], [sflag:$0x9], $0x2000, $0x38;
	[tilespmem:$0x10400] =	vst v63  }
0x147: {  	_ =	swait.ge [sflag:s19], $0x2000  }
0x148: {  	[sflag:s19] =	ssyncset.done $0x0  }
0x149: {  	[sflag:s19] =	ssyncadd.s32 $0xFFFFE000  }
0x14a: {  	_ =	swait.ge [sflag:s18], $0x2000  }
0x14b: {  	[sflag:s18] =	ssyncset.done $0x0  }
0x14c: {  	s14 =	rddreg [dreg:$0x10];
	[sflag:s18] =	ssyncadd.s32 $0xFFFFE000  }
0x14d: {  	[hbm4b:s14+s3] =	stream.linear.scatter [tilespmem:s2], [sflag:$0x9], $0x2000, $0x38;
	[tilespmem:$0x10400] =	vst v63  }
0x14e: {  	_ =	swait.ge [sflag:s19], $0x2000  }
0x14f: {  	[sflag:s19] =	ssyncset.done $0x0  }
0x150: {  	[sflag:s19] =	ssyncadd.s32 $0xFFFFE000  }
0x151: {  	_ =	swait.ge [sflag:s4], $0x2000  }
0x152: {  	[sflag:s4] =	ssyncset.done $0x0  }
0x153: {  	s15 =	rddreg [dreg:$0x11];
	[sflag:s4] =	ssyncadd.s32 $0xFFFFE000  }
0x154: {  	[hbm4b:s15+s3] =	stream.linear.scatter [tilespmem:s8], [sflag:$0x9], $0x2000, $0x38;
	[tilespmem:$0x10400] =	vst v63  }
0x155: {  	_ =	swait.ge [sflag:s19], $0x2000  }
0x156: {  	[sflag:s19] =	ssyncset.done $0x0  }
0x157: {  	[sflag:s19] =	ssyncadd.s32 $0xFFFFE000  }
0x158: {  	_ =	swait.ge [sflag:s9], $0x2000  }
0x159: {  	[sflag:s9] =	ssyncset.done $0x0  }
0x15a: {  	s14 =	rddreg [dreg:$0x12];
	[sflag:s9] =	ssyncadd.s32 $0xFFFFE000  }
0x15b: {  	[hbm4b:s14+s3] =	stream.linear.scatter [tilespmem:s12], [sflag:$0x9], $0x2000, $0x38;
	[tilespmem:$0x10400] =	vst v63  }
0x15c: {  	_ =	swait.ge [sflag:s19], $0x2000  }
0x15d: {  	[sflag:s19] =	ssyncset.done $0x0  }
0x15e: {  	[sflag:s19] =	ssyncadd.s32 $0xFFFFE000  }
0x15f: {  	_ =	swait.ge [sflag:s10], $0x2000  }
0x160: {  	[sflag:s10] =	ssyncset.done $0x0  }
0x161: {  	s15 =	rddreg [dreg:$0x13];
	[sflag:s10] =	ssyncadd.s32 $0xFFFFE000  }
0x162: {  	[hbm4b:s15+s3] =	stream.linear.scatter [tilespmem:s16], [sflag:$0x9], $0x2000, $0x38;
	[tilespmem:$0x10400] =	vst v63  }
0x163: {  	_ =	swait.ge [sflag:s19], $0x2000  }
0x164: {  	[sflag:s19] =	ssyncset.done $0x0  }
0x165: {  	[sflag:s19] =	ssyncadd.s32 $0xFFFFE000  }
0x166: {  	_ =	swait.ge [sflag:s11], $0x2000  }
0x167: {  	[sflag:s11] =	ssyncset.done $0x0  }
0x168: {  	s14 =	rddreg [dreg:$0x14];
	[sflag:s11] =	ssyncadd.s32 $0xFFFFE000  }
0x169: {  	[hbm4b:s14+s3] =	stream.linear.scatter [tilespmem:s25], [sflag:$0x9], $0x2000, $0x38;
	[tilespmem:$0x10400] =	vst v63  }
0x16a: {  	_ =	swait.ge [sflag:s19], $0x2000  }
0x16b: {  	s14 =	rddreg [dreg:$0x16]  }
0x16c: {  	s15 =	rddreg [dreg:$0x15];
	s14 =	sadd.s32 $0x1, s14  }
0x16d: {  	p0 =	sne.s32 s14, s15  }
.Ltmp1:
0x16e: {  	_ = 	snop;
	(pc) =	sbr.rel @p0 .LBB2_1-.Ltmp1, $3  }
0x16f: {  	_ =	sdelay $0x1  }
0x170: {  	[sflag:s19] =	ssyncset.done $0x0  }
0x171: {  	[sflag:s19] =	ssyncadd.s32 $0xFFFFE000  }
0x172: {  	_ =	sfence.sel $0x180000  }
0x173: {  	[bflag:$0x0] =	sbarrier.arrive $0xFFFF  }
0x174: {  	_ =	strace $0x90000047  }
0x175: {  	s0 =	stileid.u32;
	[bflag:$0x2] =	sbarrier.arrive $0xFFFF  }
0x176: {  	p0 =	sne.s32 s0, $0x0;
	s0 =	rddreg [dreg:$0x3]  }
0x177: {  	s0 =	sadd.s32 @!p0 $0x100000, s0  }
0x178: {  	[sflag:s0] =	ssyncadd.tile.s32 @!p0 $0x1;
	_ =	shalt  }
.Lfunc_end2:
_tile_overlayer_lowered:
.L_overlay_start_2:
0x179: {  	(tag) =	ssettag $0x2  }
0x17a: {  	s0 =	rddreg [dreg:$0x0];
	s2 =	stileid.u32  }
0x17b: {  	s1 =	rddreg [dreg:$0x1];
	p0 =	sne.s32 s2, $0x0  }
0x17c: {  	s3 =	rddreg [dreg:$0x2];
	[bflag:$0x3] =	sbarrier.arrive $0xFFFF;
	s2 =	simm.s32 @!p0 $0x1C09  }
0x17d: {  	[timem:s3], [sflag:s2] =	dma.local @!p0 [hbm:s0], s1  }
0x17e: {  	s0 =	simm.s32 @!p0 $0x9  }
0x17f: {  	_ =	swait.ge @!p0 [sflag:s0], s1  }
0x180: {  	s1 =	ssub.s32 @!p0 $0x0, s1;
	[sflag:s0] =	ssyncset.done @!p0 $0x0  }
0x181: {  	[sflag:s0] =	ssyncadd.s32 @!p0 s1  }
0x182: {  	[bflag:$0x3] =	sbarrier.arrive $0xFFFF  }
0x183: {  	_ =	shalt  }

</sc_bundles>
